<compile_context>
chip_gen: v7x
topology: tpu7x:2x2x1
jax: 0.10.2.dev20260603
libtpu: 0.0.44.dev20260713+nightly
codegen_flags: <defaults>
</compile_context>

<pallas_src>
import jax
import jax.numpy as jnp
from jax import lax
from jax.experimental import pallas as pl
from jax.experimental.pallas import tpu as pltpu
from jax.experimental.pallas import tpu_sc as plsc

N = 10000
E = 320000
DIN = 128
H = 64
G = 8
NC = 2
NS = 16
GRP = 192
GPT = 54
EPC = GPT * NS * GRP
E_HALF = E // 2
PAD = EPC - E_HALF
STRIPE = 632
ACC_ROWS = NS * STRIPE
STRIPE_Y = N // NS


def _make_agg(with_counts):
    mesh = plsc.VectorSubcoreMesh(core_axis_name="c", subcore_axis_name="s")
    out_type = [jax.ShapeDtypeStruct((NC, ACC_ROWS, H), jnp.float32)]
    scratch = [
        pltpu.VMEM((GPT, GRP), jnp.int32),
        pltpu.VMEM((GPT, GRP), jnp.int32),
        pltpu.VMEM((GRP, H), jnp.float32),
        pltpu.VMEM((GRP, H), jnp.float32),
        pltpu.VMEM_SHARED((N, H), jnp.float32),
        pltpu.VMEM_SHARED((ACC_ROWS, H), jnp.float32),
        pltpu.SemaphoreType.DMA,
        pltpu.SemaphoreType.DMA,
    ]
    if with_counts:
        out_type.append(jax.ShapeDtypeStruct((ACC_ROWS,), jnp.float32))
        out_type.append(jax.ShapeDtypeStruct((ACC_ROWS,), jnp.float32))
        scratch += [
            pltpu.VMEM((GRP,), jnp.float32),
            pltpu.VMEM_SHARED((ACC_ROWS,), jnp.float32),
            pltpu.VMEM((STRIPE,), jnp.float32),
            pltpu.SemaphoreType.DMA,
        ]

    def body(y_hbm, src_hbm, dst_hbm, zsum_hbm, *rest):
        if with_counts:
            (out_s, out_c0, out_c1, src_v, dst_v, msg0, msg1,
             ytab, acc, gsem, ssem, ones_v, cnt_acc, cbuf, csem) = rest
        else:
            (out_s, src_v, dst_v, msg0, msg1, ytab, acc,
             gsem, ssem) = rest
        c = lax.axis_index("c")
        s = lax.axis_index("s")

        pltpu.sync_copy(y_hbm.at[pl.ds(s * STRIPE_Y, STRIPE_Y)],
                        ytab.at[pl.ds(s * STRIPE_Y, STRIPE_Y)])
        pltpu.sync_copy(zsum_hbm.at[pl.ds(s * STRIPE, STRIPE)],
                        acc.at[pl.ds(s * STRIPE, STRIPE)])
        if with_counts:
            for k in range(STRIPE // 16):
                cbuf[pl.ds(16 * k, 16)] = jnp.zeros((16,), jnp.float32)
            cbuf[pl.ds(STRIPE - 16, 16)] = jnp.zeros((16,), jnp.float32)
            pltpu.sync_copy(cbuf, cnt_acc.at[pl.ds(s * STRIPE, STRIPE)])
            for k in range(GRP // 16):
                ones_v[pl.ds(16 * k, 16)] = jnp.full((16,), 1.0, jnp.float32)

        row0 = c * (NS * GPT) + s * GPT
        pltpu.sync_copy(src_hbm.at[pl.ds(row0, GPT)], src_v)
        pltpu.sync_copy(dst_hbm.at[pl.ds(row0, GPT)], dst_v)
        plsc.subcore_barrier()

        def fire_g(g, buf):
            pltpu.async_copy(ytab.at[src_v.at[g]], buf, gsem)

        def wait_g(buf):
            pltpu.make_async_copy(ytab.at[src_v.at[0]], buf, gsem).wait()

        def fire_s(g, buf):
            pltpu.async_copy(buf, acc.at[dst_v.at[g]], ssem, add=True)
            if with_counts:
                pltpu.async_copy(ones_v, cnt_acc.at[dst_v.at[g]],
                                 csem, add=True)

        def wait_s(buf):
            pltpu.make_async_copy(buf, acc.at[dst_v.at[0]], ssem).wait()
            if with_counts:
                pltpu.make_async_copy(ones_v, cnt_acc.at[dst_v.at[0]],
                                      csem).wait()

        fire_g(0, msg0)
        fire_g(1, msg1)

        def loop_body(i, carry):
            g0 = 2 * i
            g1 = 2 * i + 1
            wait_g(msg0)
            fire_s(g0, msg0)
            wait_g(msg1)
            fire_s(g1, msg1)
            wait_s(msg0)

            @pl.when(g0 + 2 < GPT)
            def _():
                fire_g(g0 + 2, msg0)

            wait_s(msg1)

            @pl.when(g1 + 2 < GPT)
            def _():
                fire_g(g1 + 2, msg1)

            return carry

        lax.fori_loop(0, GPT // 2, loop_body, 0)

        plsc.subcore_barrier()
        pltpu.sync_copy(acc.at[pl.ds(s * STRIPE, STRIPE)],
                        out_s.at[c, pl.ds(s * STRIPE, STRIPE)])
        if with_counts:
            pltpu.sync_copy(cnt_acc.at[pl.ds(s * STRIPE, STRIPE)], cbuf)

            @pl.when(c == 0)
            def _():
                pltpu.sync_copy(cbuf, out_c0.at[pl.ds(s * STRIPE, STRIPE)])

            @pl.when(c == 1)
            def _():
                pltpu.sync_copy(cbuf, out_c1.at[pl.ds(s * STRIPE, STRIPE)])

    return pl.kernel(
        body, out_type=out_type, mesh=mesh, scratch_types=scratch,
        compiler_params=pltpu.CompilerParams(use_tc_tiling_on_sc=False))


def _mm_pre(x_ref, wl_ref, wr_ref, y_ref, r_ref):
    xb = x_ref[...]
    y_ref[...] = jnp.dot(xb, wl_ref[...], preferred_element_type=jnp.float32)
    r_ref[...] = jnp.dot(xb, wr_ref[...], preferred_element_type=jnp.float32)


def _mm_mid(ps_ref, c0_ref, c1_ref, r_ref, b_ref, wl_ref, wr_ref,
            y_ref, r2_ref):
    ps = ps_ref[0] + ps_ref[1]
    cn = c0_ref[0, 0] + c1_ref[0, 0]
    agg = ps * (1.0 / jnp.maximum(cn, 1.0))[:, None]
    h = jnp.maximum(agg + b_ref[...] + r_ref[...], 0.0)
    y_ref[...] = jnp.dot(h, wl_ref[...], preferred_element_type=jnp.float32)
    r2_ref[...] = jnp.dot(h, wr_ref[...], preferred_element_type=jnp.float32)


def _mm_fin(ps_ref, c0_ref, c1_ref, r_ref, b_ref, batch_ref, out_ref, acc_ref):
    i = pl.program_id(0)
    ps = ps_ref[0] + ps_ref[1]
    cn = c0_ref[0, 0] + c1_ref[0, 0]
    agg = ps * (1.0 / jnp.maximum(cn, 1.0))[:, None]
    h = jnp.maximum(agg + b_ref[...] + r_ref[...], 0.0)
    he = jnp.concatenate([h, jnp.ones((1000, H), jnp.float32)], axis=1)
    b = batch_ref[0, 0]
    gids = lax.broadcasted_iota(jnp.int32, (G, 1000), 0)
    mask = (b[None, :] == gids).astype(jnp.float32)
    contrib = jnp.dot(mask, he, preferred_element_type=jnp.float32)

    @pl.when(i == 0)
    def _():
        acc_ref[...] = contrib

    @pl.when(i > 0)
    def _():
        acc_ref[...] = acc_ref[...] + contrib

    @pl.when(i == 9)
    def _():
        out_ref[...] = acc_ref[:, :H] / jnp.maximum(acc_ref[:, H:], 1.0)


@jax.jit
def kernel(x, edge_index, batch, W1l, b1, W1r, W2l, b2, W2r):
    f32 = jnp.float32
    src = edge_index[0].astype(jnp.int32)
    dst = edge_index[1].astype(jnp.int32)
    pad_i = jnp.arange(PAD, dtype=jnp.int32)
    pad_s = pad_i % N
    pad_d = N + pad_i % (ACC_ROWS - N)
    src_p = jnp.concatenate([src[:E_HALF], pad_s, src[E_HALF:], pad_s]
                            ).reshape(NC * NS * GPT, GRP)
    dst_p = jnp.concatenate([dst[:E_HALF], pad_d, dst[E_HALF:], pad_d]
                            ).reshape(NC * NS * GPT, GRP)
    zsum = jnp.zeros((ACC_ROWS, H), f32)

    BR = 1000
    nb = N // BR

    y1, r1 = pl.pallas_call(
        _mm_pre,
        grid=(nb,),
        in_specs=[
            pl.BlockSpec((BR, DIN), lambda i: (i, 0)),
            pl.BlockSpec((DIN, H), lambda i: (0, 0)),
            pl.BlockSpec((DIN, H), lambda i: (0, 0)),
        ],
        out_specs=[
            pl.BlockSpec((BR, H), lambda i: (i, 0)),
            pl.BlockSpec((BR, H), lambda i: (i, 0)),
        ],
        out_shape=[jax.ShapeDtypeStruct((N, H), f32)] * 2,
    )(x, W1l, W1r)

    psum1, cnt0, cnt1 = _make_agg(with_counts=True)(y1, src_p, dst_p, zsum)
    cnt0_r = cnt0[:N].reshape(nb, 1, BR)
    cnt1_r = cnt1[:N].reshape(nb, 1, BR)

    y2, r2 = pl.pallas_call(
        _mm_mid,
        grid=(nb,),
        in_specs=[
            pl.BlockSpec((NC, BR, H), lambda i: (0, i, 0)),
            pl.BlockSpec((1, 1, BR), lambda i: (i, 0, 0)),
            pl.BlockSpec((1, 1, BR), lambda i: (i, 0, 0)),
            pl.BlockSpec((BR, H), lambda i: (i, 0)),
            pl.BlockSpec((1, H), lambda i: (0, 0)),
            pl.BlockSpec((H, H), lambda i: (0, 0)),
            pl.BlockSpec((H, H), lambda i: (0, 0)),
        ],
        out_specs=[
            pl.BlockSpec((BR, H), lambda i: (i, 0)),
            pl.BlockSpec((BR, H), lambda i: (i, 0)),
        ],
        out_shape=[jax.ShapeDtypeStruct((N, H), f32)] * 2,
    )(psum1, cnt0_r, cnt1_r, r1, b1.reshape(1, H), W2l, W2r)

    psum2, = _make_agg(with_counts=False)(y2, src_p, dst_p, zsum)

    batch_r = batch.astype(jnp.int32).reshape(nb, 1, BR)
    pooled = pl.pallas_call(
        _mm_fin,
        grid=(nb,),
        in_specs=[
            pl.BlockSpec((NC, BR, H), lambda i: (0, i, 0)),
            pl.BlockSpec((1, 1, BR), lambda i: (i, 0, 0)),
            pl.BlockSpec((1, 1, BR), lambda i: (i, 0, 0)),
            pl.BlockSpec((BR, H), lambda i: (i, 0)),
            pl.BlockSpec((1, H), lambda i: (0, 0)),
            pl.BlockSpec((1, 1, BR), lambda i: (i, 0, 0)),
        ],
        out_specs=pl.BlockSpec((G, H), lambda i: (0, 0)),
        out_shape=jax.ShapeDtypeStruct((G, H), f32),
        scratch_shapes=[pltpu.VMEM((G, 2 * H), f32)],
    )(psum2, cnt0_r, cnt1_r, r2, b2.reshape(1, H), batch_r)

    return pooled

# --- scband reference (transcript-rebuilt; emitter-appended) ---
"""Pipeline reference for scband-sageencoder-16140487099036 (READ-ONLY COPY).

The authoritative reference and input builder live on the scoring server;
editing this copy changes nothing except your own understanding.
"""

import jax, jax.numpy as jnp
import numpy as np

NUM_NODES = 10000
NUM_EDGES = 320000
D_IN = 128
HID = 64
NUM_GRAPHS = 8


def setup_inputs(seed: int = 0) -> dict:
    key = jax.random.key(seed)
    ks = jax.random.split(key, 10)
    x = jax.random.normal(ks[0], (NUM_NODES, D_IN), dtype=jnp.float32)
    edge_index = jax.random.randint(ks[1], (2, NUM_EDGES), 0, NUM_NODES, dtype=jnp.int64)
    batch = jnp.sort(jax.random.randint(ks[2], (NUM_NODES,), 0, NUM_GRAPHS, dtype=jnp.int64))
    # SAGEConv1: lin_l (with bias) applied to mean-aggregated neighbors, lin_r (no bias) to root
    W1l = jax.random.normal(ks[3], (D_IN, HID), dtype=jnp.float32) * (1.0 / np.sqrt(D_IN))
    b1 = jnp.zeros((HID,), dtype=jnp.float32)
    W1r = jax.random.normal(ks[4], (D_IN, HID), dtype=jnp.float32) * (1.0 / np.sqrt(D_IN))
    # SAGEConv2
    W2l = jax.random.normal(ks[5], (HID, HID), dtype=jnp.float32) * (1.0 / np.sqrt(HID))
    b2 = jnp.zeros((HID,), dtype=jnp.float32)
    W2r = jax.random.normal(ks[6], (HID, HID), dtype=jnp.float32) * (1.0 / np.sqrt(HID))
    return {"x": x, "edge_index": edge_index, "batch": batch,
            "W1l": W1l, "b1": b1, "W1r": W1r,
            "W2l": W2l, "b2": b2, "W2r": W2r}


def _sage_conv(x, src, dst, Wl, bl, Wr, num_nodes):
    # message = x[src]; mean-aggregate at dst
    msg = jnp.take(x, src, axis=0)
    agg = jax.ops.segment_sum(msg, dst, num_segments=num_nodes)
    cnt = jax.ops.segment_sum(jnp.ones((src.shape[0], 1), dtype=x.dtype), dst, num_segments=num_nodes)
    agg = agg / jnp.maximum(cnt, 1.0)
    return agg @ Wl + bl + x @ Wr


def reference(x, edge_index, batch, W1l, b1, W1r, W2l, b2, W2r):
    src = edge_index[0]
    dst = edge_index[1]
    h = jax.nn.relu(_sage_conv(x, src, dst, W1l, b1, W1r, NUM_NODES))
    h = jax.nn.relu(_sage_conv(h, src, dst, W2l, b2, W2r, NUM_NODES))
    # global_mean_pool over batch ids
    pooled_sum = jax.ops.segment_sum(h, batch, num_segments=NUM_GRAPHS)
    pooled_cnt = jax.ops.segment_sum(jnp.ones((h.shape[0], 1), dtype=h.dtype), batch, num_segments=NUM_GRAPHS)
    pooled = pooled_sum / jnp.maximum(pooled_cnt, 1.0)
    return pooled

if __name__ == "__main__":
    import jax
    _d = setup_inputs()
    print(jax.jit(kernel)(*tuple(_d.values())))

</pallas_src>

<mosaic_0001>
#map = affine_map<(d0, d1) -> (0, 0)>
#map1 = affine_map<(d0, d1) -> (0, 0, 0)>
#map2 = affine_map<(d0, d1) -> (0)>
module attributes {stable_mosaic.version = 14 : i64} {
  func.func @body(%arg0: i32, %arg1: i32, %arg2: memref<10000x64xf32, #tpu.memory_space<hbm>>, %arg3: memref<1728x192xi32, #tpu.memory_space<hbm>>, %arg4: memref<1728x192xi32, #tpu.memory_space<hbm>>, %arg5: memref<10112x64xf32, #tpu.memory_space<hbm>>, %arg6: memref<2x10112x64xf32, #tpu.memory_space<hbm>>, %arg7: memref<10112xf32, #tpu.memory_space<hbm>>, %arg8: memref<10112xf32, #tpu.memory_space<hbm>>, %arg9: memref<54x192xi32, #tpu.memory_space<vmem>>, %arg10: memref<54x192xi32, #tpu.memory_space<vmem>>, %arg11: memref<192x64xf32, #tpu.memory_space<vmem>>, %arg12: memref<192x64xf32, #tpu.memory_space<vmem>>, %arg13: memref<10000x64xf32, #tpu.memory_space<vmem_shared>>, %arg14: memref<10112x64xf32, #tpu.memory_space<vmem_shared>>, %arg15: memref<!tpu.dma_semaphore, #tpu.memory_space<semaphore_mem>>, %arg16: memref<!tpu.dma_semaphore, #tpu.memory_space<semaphore_mem>>, %arg17: memref<192xf32, #tpu.memory_space<vmem>>, %arg18: memref<10112xf32, #tpu.memory_space<vmem_shared>>, %arg19: memref<632xf32, #tpu.memory_space<vmem>>, %arg20: memref<!tpu.dma_semaphore, #tpu.memory_space<semaphore_mem>>) attributes {dimension_semantics = [#tpu.dimension_semantics<core_parallel>, #tpu.dimension_semantics<subcore_parallel>], iteration_bounds = array<i64: 2, 16>, scalar_prefetch = 0 : i64, scratch_operands = 12 : i64, tpu.core_type = #tpu.core_type<sc_vector_subcore>, window_params = [{transform_indices = #map}, {transform_indices = #map}, {transform_indices = #map}, {transform_indices = #map}, {transform_indices = #map1}, {transform_indices = #map2}, {transform_indices = #map2}]} {
    %mul3A = arith.constant 625 : i32
    %mul3A_0 = arith.muli %arg1, %mul3A : i32
    %mul3A_1 = arith.constant 625 : i32
    %mul3A_2 = arith.muli %arg1, %mul3A_1 : i32
    "tpu.region"() ({
      %run_scoped3A = tpu.sem_alloc : memref<!tpu.dma_semaphore, #tpu.memory_space<semaphore_mem>>
      %dma_start3A_355 = arith.constant 0 : i32
      %dma_start3A_356 = tpu.memref_slice %arg13[%mul3A_2, %dma_start3A_355] : memref<10000x64xf32, #tpu.memory_space<vmem_shared>> -> memref<625x64xf32, #tpu.memory_space<vmem_shared>>
      %dma_start3A_357 = arith.constant 0 : i32
      %dma_start3A_358 = tpu.memref_slice %arg2[%mul3A_0, %dma_start3A_357] : memref<10000x64xf32, #tpu.memory_space<hbm>> -> memref<625x64xf32, #tpu.memory_space<hbm>>
      tpu.enqueue_dma source(%dma_start3A_358 : memref<625x64xf32, #tpu.memory_space<hbm>>) target(%dma_start3A_356 : memref<625x64xf32, #tpu.memory_space<vmem_shared>>) target_semaphore(%run_scoped3A : memref<!tpu.dma_semaphore, #tpu.memory_space<semaphore_mem>>)
      %dma_wait3A = arith.constant 0 : i32
      %dma_wait3A_359 = tpu.memref_slice %arg13[%mul3A_2, %dma_wait3A] : memref<10000x64xf32, #tpu.memory_space<vmem_shared>> -> memref<625x64xf32, #tpu.memory_space<vmem_shared>>
      %dma_wait3A_360 = arith.constant 0 : i32
      %dma_wait3A_361 = tpu.memref_slice %arg2[%mul3A_0, %dma_wait3A_360] : memref<10000x64xf32, #tpu.memory_space<hbm>> -> memref<625x64xf32, #tpu.memory_space<hbm>>
      tpu.wait_dma2 semaphore(%run_scoped3A : memref<!tpu.dma_semaphore, #tpu.memory_space<semaphore_mem>>) src(%dma_wait3A_361 : memref<625x64xf32, #tpu.memory_space<hbm>>) dst(%dma_wait3A_359 : memref<625x64xf32, #tpu.memory_space<vmem_shared>>)
      tpu.yield
    }) : () -> ()
    %mul3A_3 = arith.constant 632 : i32
    %mul3A_4 = arith.muli %arg1, %mul3A_3 : i32
    %mul3A_5 = arith.constant 632 : i32
    %mul3A_6 = arith.muli %arg1, %mul3A_5 : i32
    "tpu.region"() ({
      %run_scoped3A = tpu.sem_alloc : memref<!tpu.dma_semaphore, #tpu.memory_space<semaphore_mem>>
      %dma_start3A_355 = arith.constant 0 : i32
      %dma_start3A_356 = tpu.memref_slice %arg14[%mul3A_6, %dma_start3A_355] : memref<10112x64xf32, #tpu.memory_space<vmem_shared>> -> memref<632x64xf32, #tpu.memory_space<vmem_shared>>
      %dma_start3A_357 = arith.constant 0 : i32
      %dma_start3A_358 = tpu.memref_slice %arg5[%mul3A_4, %dma_start3A_357] : memref<10112x64xf32, #tpu.memory_space<hbm>> -> memref<632x64xf32, #tpu.memory_space<hbm>>
      tpu.enqueue_dma source(%dma_start3A_358 : memref<632x64xf32, #tpu.memory_space<hbm>>) target(%dma_start3A_356 : memref<632x64xf32, #tpu.memory_space<vmem_shared>>) target_semaphore(%run_scoped3A : memref<!tpu.dma_semaphore, #tpu.memory_space<semaphore_mem>>)
      %dma_wait3A = arith.constant 0 : i32
      %dma_wait3A_359 = tpu.memref_slice %arg14[%mul3A_6, %dma_wait3A] : memref<10112x64xf32, #tpu.memory_space<vmem_shared>> -> memref<632x64xf32, #tpu.memory_space<vmem_shared>>
      %dma_wait3A_360 = arith.constant 0 : i32
      %dma_wait3A_361 = tpu.memref_slice %arg5[%mul3A_4, %dma_wait3A_360] : memref<10112x64xf32, #tpu.memory_space<hbm>> -> memref<632x64xf32, #tpu.memory_space<hbm>>
      tpu.wait_dma2 semaphore(%run_scoped3A : memref<!tpu.dma_semaphore, #tpu.memory_space<semaphore_mem>>) src(%dma_wait3A_361 : memref<632x64xf32, #tpu.memory_space<hbm>>) dst(%dma_wait3A_359 : memref<632x64xf32, #tpu.memory_space<vmem_shared>>)
      tpu.yield
    }) : () -> ()
    %broadcast_in_dim3A = arith.constant 0.000000e+00 : f32
    %broadcast_in_dim3A_7 = vector.broadcast %broadcast_in_dim3A : f32 to vector<16xf32>
    %swap3A = arith.constant 0 : index
    %swap3A_8 = tpu.vector_load %arg19[%swap3A] {strides = array<i32>} : memref<632xf32, #tpu.memory_space<vmem>>, vector<16xf32>,
    %swap3A_9 = vector.shape_cast %swap3A_8 : vector<16xf32> to vector<16xf32>
    %swap3A_10 = vector.shape_cast %broadcast_in_dim3A_7 : vector<16xf32> to vector<16xf32>
    tpu.vector_store %arg19[%swap3A], %swap3A_10 {strides = array<i32>} : memref<632xf32, #tpu.memory_space<vmem>>, vector<16xf32>,
    %broadcast_in_dim3A_11 = arith.constant 0.000000e+00 : f32
    %broadcast_in_dim3A_12 = vector.broadcast %broadcast_in_dim3A_11 : f32 to vector<16xf32>
    %swap3A_13 = arith.constant 16 : index
    %swap3A_14 = tpu.vector_load %arg19[%swap3A_13] {strides = array<i32>} : memref<632xf32, #tpu.memory_space<vmem>>, vector<16xf32>,
    %swap3A_15 = vector.shape_cast %swap3A_14 : vector<16xf32> to vector<16xf32>
    %swap3A_16 = vector.shape_cast %broadcast_in_dim3A_12 : vector<16xf32> to vector<16xf32>
    tpu.vector_store %arg19[%swap3A_13], %swap3A_16 {strides = array<i32>} : memref<632xf32, #tpu.memory_space<vmem>>, vector<16xf32>,
    %broadcast_in_dim3A_17 = arith.constant 0.000000e+00 : f32
    %broadcast_in_dim3A_18 = vector.broadcast %broadcast_in_dim3A_17 : f32 to vector<16xf32>
    %swap3A_19 = arith.constant 32 : index
    %swap3A_20 = tpu.vector_load %arg19[%swap3A_19] {strides = array<i32>} : memref<632xf32, #tpu.memory_space<vmem>>, vector<16xf32>,
    %swap3A_21 = vector.shape_cast %swap3A_20 : vector<16xf32> to vector<16xf32>
    %swap3A_22 = vector.shape_cast %broadcast_in_dim3A_18 : vector<16xf32> to vector<16xf32>
    tpu.vector_store %arg19[%swap3A_19], %swap3A_22 {strides = array<i32>} : memref<632xf32, #tpu.memory_space<vmem>>, vector<16xf32>,
    %broadcast_in_dim3A_23 = arith.constant 0.000000e+00 : f32
    %broadcast_in_dim3A_24 = vector.broadcast %broadcast_in_dim3A_23 : f32 to vector<16xf32>
    %swap3A_25 = arith.constant 48 : index
    %swap3A_26 = tpu.vector_load %arg19[%swap3A_25] {strides = array<i32>} : memref<632xf32, #tpu.memory_space<vmem>>, vector<16xf32>,
    %swap3A_27 = vector.shape_cast %swap3A_26 : vector<16xf32> to vector<16xf32>
    %swap3A_28 = vector.shape_cast %broadcast_in_dim3A_24 : vector<16xf32> to vector<16xf32>
    tpu.vector_store %arg19[%swap3A_25], %swap3A_28 {strides = array<i32>} : memref<632xf32, #tpu.memory_space<vmem>>, vector<16xf32>,
    %broadcast_in_dim3A_29 = arith.constant 0.000000e+00 : f32
    %broadcast_in_dim3A_30 = vector.broadcast %broadcast_in_dim3A_29 : f32 to vector<16xf32>
    %swap3A_31 = arith.constant 64 : index
    %swap3A_32 = tpu.vector_load %arg19[%swap3A_31] {strides = array<i32>} : memref<632xf32, #tpu.memory_space<vmem>>, vector<16xf32>,
    %swap3A_33 = vector.shape_cast %swap3A_32 : vector<16xf32> to vector<16xf32>
    %swap3A_34 = vector.shape_cast %broadcast_in_dim3A_30 : vector<16xf32> to vector<16xf32>
    tpu.vector_store %arg19[%swap3A_31], %swap3A_34 {strides = array<i32>} : memref<632xf32, #tpu.memory_space<vmem>>, vector<16xf32>,
    %broadcast_in_dim3A_35 = arith.constant 0.000000e+00 : f32
    %broadcast_in_dim3A_36 = vector.broadcast %broadcast_in_dim3A_35 : f32 to vector<16xf32>
    %swap3A_37 = arith.constant 80 : index
    %swap3A_38 = tpu.vector_load %arg19[%swap3A_37] {strides = array<i32>} : memref<632xf32, #tpu.memory_space<vmem>>, vector<16xf32>,
    %swap3A_39 = vector.shape_cast %swap3A_38 : vector<16xf32> to vector<16xf32>
    %swap3A_40 = vector.shape_cast %broadcast_in_dim3A_36 : vector<16xf32> to vector<16xf32>
    tpu.vector_store %arg19[%swap3A_37], %swap3A_40 {strides = array<i32>} : memref<632xf32, #tpu.memory_space<vmem>>, vector<16xf32>,
    %broadcast_in_dim3A_41 = arith.constant 0.000000e+00 : f32
    %broadcast_in_dim3A_42 = vector.broadcast %broadcast_in_dim3A_41 : f32 to vector<16xf32>
    %swap3A_43 = arith.constant 96 : index
    %swap3A_44 = tpu.vector_load %arg19[%swap3A_43] {strides = array<i32>} : memref<632xf32, #tpu.memory_space<vmem>>, vector<16xf32>,
    %swap3A_45 = vector.shape_cast %swap3A_44 : vector<16xf32> to vector<16xf32>
    %swap3A_46 = vector.shape_cast %broadcast_in_dim3A_42 : vector<16xf32> to vector<16xf32>
    tpu.vector_store %arg19[%swap3A_43], %swap3A_46 {strides = array<i32>} : memref<632xf32, #tpu.memory_space<vmem>>, vector<16xf32>,
    %broadcast_in_dim3A_47 = arith.constant 0.000000e+00 : f32
    %broadcast_in_dim3A_48 = vector.broadcast %broadcast_in_dim3A_47 : f32 to vector<16xf32>
    %swap3A_49 = arith.constant 112 : index
    %swap3A_50 = tpu.vector_load %arg19[%swap3A_49] {strides = array<i32>} : memref<632xf32, #tpu.memory_space<vmem>>, vector<16xf32>,
    %swap3A_51 = vector.shape_cast %swap3A_50 : vector<16xf32> to vector<16xf32>
    %swap3A_52 = vector.shape_cast %broadcast_in_dim3A_48 : vector<16xf32> to vector<16xf32>
    tpu.vector_store %arg19[%swap3A_49], %swap3A_52 {strides = array<i32>} : memref<632xf32, #tpu.memory_space<vmem>>, vector<16xf32>,
    %broadcast_in_dim3A_53 = arith.constant 0.000000e+00 : f32
    %broadcast_in_dim3A_54 = vector.broadcast %broadcast_in_dim3A_53 : f32 to vector<16xf32>
    %swap3A_55 = arith.constant 128 : index
    %swap3A_56 = tpu.vector_load %arg19[%swap3A_55] {strides = array<i32>} : memref<632xf32, #tpu.memory_space<vmem>>, vector<16xf32>,
    %swap3A_57 = vector.shape_cast %swap3A_56 : vector<16xf32> to vector<16xf32>
    %swap3A_58 = vector.shape_cast %broadcast_in_dim3A_54 : vector<16xf32> to vector<16xf32>
    tpu.vector_store %arg19[%swap3A_55], %swap3A_58 {strides = array<i32>} : memref<632xf32, #tpu.memory_space<vmem>>, vector<16xf32>,
    %broadcast_in_dim3A_59 = arith.constant 0.000000e+00 : f32
    %broadcast_in_dim3A_60 = vector.broadcast %broadcast_in_dim3A_59 : f32 to vector<16xf32>
    %swap3A_61 = arith.constant 144 : index
    %swap3A_62 = tpu.vector_load %arg19[%swap3A_61] {strides = array<i32>} : memref<632xf32, #tpu.memory_space<vmem>>, vector<16xf32>,
    %swap3A_63 = vector.shape_cast %swap3A_62 : vector<16xf32> to vector<16xf32>
    %swap3A_64 = vector.shape_cast %broadcast_in_dim3A_60 : vector<16xf32> to vector<16xf32>
    tpu.vector_store %arg19[%swap3A_61], %swap3A_64 {strides = array<i32>} : memref<632xf32, #tpu.memory_space<vmem>>, vector<16xf32>,
    %broadcast_in_dim3A_65 = arith.constant 0.000000e+00 : f32
    %broadcast_in_dim3A_66 = vector.broadcast %broadcast_in_dim3A_65 : f32 to vector<16xf32>
    %swap3A_67 = arith.constant 160 : index
    %swap3A_68 = tpu.vector_load %arg19[%swap3A_67] {strides = array<i32>} : memref<632xf32, #tpu.memory_space<vmem>>, vector<16xf32>,
    %swap3A_69 = vector.shape_cast %swap3A_68 : vector<16xf32> to vector<16xf32>
    %swap3A_70 = vector.shape_cast %broadcast_in_dim3A_66 : vector<16xf32> to vector<16xf32>
    tpu.vector_store %arg19[%swap3A_67], %swap3A_70 {strides = array<i32>} : memref<632xf32, #tpu.memory_space<vmem>>, vector<16xf32>,
    %broadcast_in_dim3A_71 = arith.constant 0.000000e+00 : f32
    %broadcast_in_dim3A_72 = vector.broadcast %broadcast_in_dim3A_71 : f32 to vector<16xf32>
    %swap3A_73 = arith.constant 176 : index
    %swap3A_74 = tpu.vector_load %arg19[%swap3A_73] {strides = array<i32>} : memref<632xf32, #tpu.memory_space<vmem>>, vector<16xf32>,
    %swap3A_75 = vector.shape_cast %swap3A_74 : vector<16xf32> to vector<16xf32>
    %swap3A_76 = vector.shape_cast %broadcast_in_dim3A_72 : vector<16xf32> to vector<16xf32>
    tpu.vector_store %arg19[%swap3A_73], %swap3A_76 {strides = array<i32>} : memref<632xf32, #tpu.memory_space<vmem>>, vector<16xf32>,
    %broadcast_in_dim3A_77 = arith.constant 0.000000e+00 : f32
    %broadcast_in_dim3A_78 = vector.broadcast %broadcast_in_dim3A_77 : f32 to vector<16xf32>
    %swap3A_79 = arith.constant 192 : index
    %swap3A_80 = tpu.vector_load %arg19[%swap3A_79] {strides = array<i32>} : memref<632xf32, #tpu.memory_space<vmem>>, vector<16xf32>,
    %swap3A_81 = vector.shape_cast %swap3A_80 : vector<16xf32> to vector<16xf32>
    %swap3A_82 = vector.shape_cast %broadcast_in_dim3A_78 : vector<16xf32> to vector<16xf32>
    tpu.vector_store %arg19[%swap3A_79], %swap3A_82 {strides = array<i32>} : memref<632xf32, #tpu.memory_space<vmem>>, vector<16xf32>,
    %broadcast_in_dim3A_83 = arith.constant 0.000000e+00 : f32
    %broadcast_in_dim3A_84 = vector.broadcast %broadcast_in_dim3A_83 : f32 to vector<16xf32>
    %swap3A_85 = arith.constant 208 : index
    %swap3A_86 = tpu.vector_load %arg19[%swap3A_85] {strides = array<i32>} : memref<632xf32, #tpu.memory_space<vmem>>, vector<16xf32>,
    %swap3A_87 = vector.shape_cast %swap3A_86 : vector<16xf32> to vector<16xf32>
    %swap3A_88 = vector.shape_cast %broadcast_in_dim3A_84 : vector<16xf32> to vector<16xf32>
    tpu.vector_store %arg19[%swap3A_85], %swap3A_88 {strides = array<i32>} : memref<632xf32, #tpu.memory_space<vmem>>, vector<16xf32>,
    %broadcast_in_dim3A_89 = arith.constant 0.000000e+00 : f32
    %broadcast_in_dim3A_90 = vector.broadcast %broadcast_in_dim3A_89 : f32 to vector<16xf32>
    %swap3A_91 = arith.constant 224 : index
    %swap3A_92 = tpu.vector_load %arg19[%swap3A_91] {strides = array<i32>} : memref<632xf32, #tpu.memory_space<vmem>>, vector<16xf32>,
    %swap3A_93 = vector.shape_cast %swap3A_92 : vector<16xf32> to vector<16xf32>
    %swap3A_94 = vector.shape_cast %broadcast_in_dim3A_90 : vector<16xf32> to vector<16xf32>
    tpu.vector_store %arg19[%swap3A_91], %swap3A_94 {strides = array<i32>} : memref<632xf32, #tpu.memory_space<vmem>>, vector<16xf32>,
    %broadcast_in_dim3A_95 = arith.constant 0.000000e+00 : f32
    %broadcast_in_dim3A_96 = vector.broadcast %broadcast_in_dim3A_95 : f32 to vector<16xf32>
    %swap3A_97 = arith.constant 240 : index
    %swap3A_98 = tpu.vector_load %arg19[%swap3A_97] {strides = array<i32>} : memref<632xf32, #tpu.memory_space<vmem>>, vector<16xf32>,
    %swap3A_99 = vector.shape_cast %swap3A_98 : vector<16xf32> to vector<16xf32>
    %swap3A_100 = vector.shape_cast %broadcast_in_dim3A_96 : vector<16xf32> to vector<16xf32>
    tpu.vector_store %arg19[%swap3A_97], %swap3A_100 {strides = array<i32>} : memref<632xf32, #tpu.memory_space<vmem>>, vector<16xf32>,
    %broadcast_in_dim3A_101 = arith.constant 0.000000e+00 : f32
    %broadcast_in_dim3A_102 = vector.broadcast %broadcast_in_dim3A_101 : f32 to vector<16xf32>
    %swap3A_103 = arith.constant 256 : index
    %swap3A_104 = tpu.vector_load %arg19[%swap3A_103] {strides = array<i32>} : memref<632xf32, #tpu.memory_space<vmem>>, vector<16xf32>,
    %swap3A_105 = vector.shape_cast %swap3A_104 : vector<16xf32> to vector<16xf32>
    %swap3A_106 = vector.shape_cast %broadcast_in_dim3A_102 : vector<16xf32> to vector<16xf32>
    tpu.vector_store %arg19[%swap3A_103], %swap3A_106 {strides = array<i32>} : memref<632xf32, #tpu.memory_space<vmem>>, vector<16xf32>,
    %broadcast_in_dim3A_107 = arith.constant 0.000000e+00 : f32
    %broadcast_in_dim3A_108 = vector.broadcast %broadcast_in_dim3A_107 : f32 to vector<16xf32>
    %swap3A_109 = arith.constant 272 : index
    %swap3A_110 = tpu.vector_load %arg19[%swap3A_109] {strides = array<i32>} : memref<632xf32, #tpu.memory_space<vmem>>, vector<16xf32>,
    %swap3A_111 = vector.shape_cast %swap3A_110 : vector<16xf32> to vector<16xf32>
    %swap3A_112 = vector.shape_cast %broadcast_in_dim3A_108 : vector<16xf32> to vector<16xf32>
    tpu.vector_store %arg19[%swap3A_109], %swap3A_112 {strides = array<i32>} : memref<632xf32, #tpu.memory_space<vmem>>, vector<16xf32>,
    %broadcast_in_dim3A_113 = arith.constant 0.000000e+00 : f32
    %broadcast_in_dim3A_114 = vector.broadcast %broadcast_in_dim3A_113 : f32 to vector<16xf32>
    %swap3A_115 = arith.constant 288 : index
    %swap3A_116 = tpu.vector_load %arg19[%swap3A_115] {strides = array<i32>} : memref<632xf32, #tpu.memory_space<vmem>>, vector<16xf32>,
    %swap3A_117 = vector.shape_cast %swap3A_116 : vector<16xf32> to vector<16xf32>
    %swap3A_118 = vector.shape_cast %broadcast_in_dim3A_114 : vector<16xf32> to vector<16xf32>
    tpu.vector_store %arg19[%swap3A_115], %swap3A_118 {strides = array<i32>} : memref<632xf32, #tpu.memory_space<vmem>>, vector<16xf32>,
    %broadcast_in_dim3A_119 = arith.constant 0.000000e+00 : f32
    %broadcast_in_dim3A_120 = vector.broadcast %broadcast_in_dim3A_119 : f32 to vector<16xf32>
    %swap3A_121 = arith.constant 304 : index
    %swap3A_122 = tpu.vector_load %arg19[%swap3A_121] {strides = array<i32>} : memref<632xf32, #tpu.memory_space<vmem>>, vector<16xf32>,
    %swap3A_123 = vector.shape_cast %swap3A_122 : vector<16xf32> to vector<16xf32>
    %swap3A_124 = vector.shape_cast %broadcast_in_dim3A_120 : vector<16xf32> to vector<16xf32>
    tpu.vector_store %arg19[%swap3A_121], %swap3A_124 {strides = array<i32>} : memref<632xf32, #tpu.memory_space<vmem>>, vector<16xf32>,
    %broadcast_in_dim3A_125 = arith.constant 0.000000e+00 : f32
    %broadcast_in_dim3A_126 = vector.broadcast %broadcast_in_dim3A_125 : f32 to vector<16xf32>
    %swap3A_127 = arith.constant 320 : index
    %swap3A_128 = tpu.vector_load %arg19[%swap3A_127] {strides = array<i32>} : memref<632xf32, #tpu.memory_space<vmem>>, vector<16xf32>,
    %swap3A_129 = vector.shape_cast %swap3A_128 : vector<16xf32> to vector<16xf32>
    %swap3A_130 = vector.shape_cast %broadcast_in_dim3A_126 : vector<16xf32> to vector<16xf32>
    tpu.vector_store %arg19[%swap3A_127], %swap3A_130 {strides = array<i32>} : memref<632xf32, #tpu.memory_space<vmem>>, vector<16xf32>,
    %broadcast_in_dim3A_131 = arith.constant 0.000000e+00 : f32
    %broadcast_in_dim3A_132 = vector.broadcast %broadcast_in_dim3A_131 : f32 to vector<16xf32>
    %swap3A_133 = arith.constant 336 : index
    %swap3A_134 = tpu.vector_load %arg19[%swap3A_133] {strides = array<i32>} : memref<632xf32, #tpu.memory_space<vmem>>, vector<16xf32>,
    %swap3A_135 = vector.shape_cast %swap3A_134 : vector<16xf32> to vector<16xf32>
    %swap3A_136 = vector.shape_cast %broadcast_in_dim3A_132 : vector<16xf32> to vector<16xf32>
    tpu.vector_store %arg19[%swap3A_133], %swap3A_136 {strides = array<i32>} : memref<632xf32, #tpu.memory_space<vmem>>, vector<16xf32>,
    %broadcast_in_dim3A_137 = arith.constant 0.000000e+00 : f32
    %broadcast_in_dim3A_138 = vector.broadcast %broadcast_in_dim3A_137 : f32 to vector<16xf32>
    %swap3A_139 = arith.constant 352 : index
    %swap3A_140 = tpu.vector_load %arg19[%swap3A_139] {strides = array<i32>} : memref<632xf32, #tpu.memory_space<vmem>>, vector<16xf32>,
    %swap3A_141 = vector.shape_cast %swap3A_140 : vector<16xf32> to vector<16xf32>
    %swap3A_142 = vector.shape_cast %broadcast_in_dim3A_138 : vector<16xf32> to vector<16xf32>
    tpu.vector_store %arg19[%swap3A_139], %swap3A_142 {strides = array<i32>} : memref<632xf32, #tpu.memory_space<vmem>>, vector<16xf32>,
    %broadcast_in_dim3A_143 = arith.constant 0.000000e+00 : f32
    %broadcast_in_dim3A_144 = vector.broadcast %broadcast_in_dim3A_143 : f32 to vector<16xf32>
    %swap3A_145 = arith.constant 368 : index
    %swap3A_146 = tpu.vector_load %arg19[%swap3A_145] {strides = array<i32>} : memref<632xf32, #tpu.memory_space<vmem>>, vector<16xf32>,
    %swap3A_147 = vector.shape_cast %swap3A_146 : vector<16xf32> to vector<16xf32>
    %swap3A_148 = vector.shape_cast %broadcast_in_dim3A_144 : vector<16xf32> to vector<16xf32>
    tpu.vector_store %arg19[%swap3A_145], %swap3A_148 {strides = array<i32>} : memref<632xf32, #tpu.memory_space<vmem>>, vector<16xf32>,
    %broadcast_in_dim3A_149 = arith.constant 0.000000e+00 : f32
    %broadcast_in_dim3A_150 = vector.broadcast %broadcast_in_dim3A_149 : f32 to vector<16xf32>
    %swap3A_151 = arith.constant 384 : index
    %swap3A_152 = tpu.vector_load %arg19[%swap3A_151] {strides = array<i32>} : memref<632xf32, #tpu.memory_space<vmem>>, vector<16xf32>,
    %swap3A_153 = vector.shape_cast %swap3A_152 : vector<16xf32> to vector<16xf32>
    %swap3A_154 = vector.shape_cast %broadcast_in_dim3A_150 : vector<16xf32> to vector<16xf32>
    tpu.vector_store %arg19[%swap3A_151], %swap3A_154 {strides = array<i32>} : memref<632xf32, #tpu.memory_space<vmem>>, vector<16xf32>,
    %broadcast_in_dim3A_155 = arith.constant 0.000000e+00 : f32
    %broadcast_in_dim3A_156 = vector.broadcast %broadcast_in_dim3A_155 : f32 to vector<16xf32>
    %swap3A_157 = arith.constant 400 : index
    %swap3A_158 = tpu.vector_load %arg19[%swap3A_157] {strides = array<i32>} : memref<632xf32, #tpu.memory_space<vmem>>, vector<16xf32>,
    %swap3A_159 = vector.shape_cast %swap3A_158 : vector<16xf32> to vector<16xf32>
    %swap3A_160 = vector.shape_cast %broadcast_in_dim3A_156 : vector<16xf32> to vector<16xf32>
    tpu.vector_store %arg19[%swap3A_157], %swap3A_160 {strides = array<i32>} : memref<632xf32, #tpu.memory_space<vmem>>, vector<16xf32>,
    %broadcast_in_dim3A_161 = arith.constant 0.000000e+00 : f32
    %broadcast_in_dim3A_162 = vector.broadcast %broadcast_in_dim3A_161 : f32 to vector<16xf32>
    %swap3A_163 = arith.constant 416 : index
    %swap3A_164 = tpu.vector_load %arg19[%swap3A_163] {strides = array<i32>} : memref<632xf32, #tpu.memory_space<vmem>>, vector<16xf32>,
    %swap3A_165 = vector.shape_cast %swap3A_164 : vector<16xf32> to vector<16xf32>
    %swap3A_166 = vector.shape_cast %broadcast_in_dim3A_162 : vector<16xf32> to vector<16xf32>
    tpu.vector_store %arg19[%swap3A_163], %swap3A_166 {strides = array<i32>} : memref<632xf32, #tpu.memory_space<vmem>>, vector<16xf32>,
    %broadcast_in_dim3A_167 = arith.constant 0.000000e+00 : f32
    %broadcast_in_dim3A_168 = vector.broadcast %broadcast_in_dim3A_167 : f32 to vector<16xf32>
    %swap3A_169 = arith.constant 432 : index
    %swap3A_170 = tpu.vector_load %arg19[%swap3A_169] {strides = array<i32>} : memref<632xf32, #tpu.memory_space<vmem>>, vector<16xf32>,
    %swap3A_171 = vector.shape_cast %swap3A_170 : vector<16xf32> to vector<16xf32>
    %swap3A_172 = vector.shape_cast %broadcast_in_dim3A_168 : vector<16xf32> to vector<16xf32>
    tpu.vector_store %arg19[%swap3A_169], %swap3A_172 {strides = array<i32>} : memref<632xf32, #tpu.memory_space<vmem>>, vector<16xf32>,
    %broadcast_in_dim3A_173 = arith.constant 0.000000e+00 : f32
    %broadcast_in_dim3A_174 = vector.broadcast %broadcast_in_dim3A_173 : f32 to vector<16xf32>
    %swap3A_175 = arith.constant 448 : index
    %swap3A_176 = tpu.vector_load %arg19[%swap3A_175] {strides = array<i32>} : memref<632xf32, #tpu.memory_space<vmem>>, vector<16xf32>,
    %swap3A_177 = vector.shape_cast %swap3A_176 : vector<16xf32> to vector<16xf32>
    %swap3A_178 = vector.shape_cast %broadcast_in_dim3A_174 : vector<16xf32> to vector<16xf32>
    tpu.vector_store %arg19[%swap3A_175], %swap3A_178 {strides = array<i32>} : memref<632xf32, #tpu.memory_space<vmem>>, vector<16xf32>,
    %broadcast_in_dim3A_179 = arith.constant 0.000000e+00 : f32
    %broadcast_in_dim3A_180 = vector.broadcast %broadcast_in_dim3A_179 : f32 to vector<16xf32>
    %swap3A_181 = arith.constant 464 : index
    %swap3A_182 = tpu.vector_load %arg19[%swap3A_181] {strides = array<i32>} : memref<632xf32, #tpu.memory_space<vmem>>, vector<16xf32>,
    %swap3A_183 = vector.shape_cast %swap3A_182 : vector<16xf32> to vector<16xf32>
    %swap3A_184 = vector.shape_cast %broadcast_in_dim3A_180 : vector<16xf32> to vector<16xf32>
    tpu.vector_store %arg19[%swap3A_181], %swap3A_184 {strides = array<i32>} : memref<632xf32, #tpu.memory_space<vmem>>, vector<16xf32>,
    %broadcast_in_dim3A_185 = arith.constant 0.000000e+00 : f32
    %broadcast_in_dim3A_186 = vector.broadcast %broadcast_in_dim3A_185 : f32 to vector<16xf32>
    %swap3A_187 = arith.constant 480 : index
    %swap3A_188 = tpu.vector_load %arg19[%swap3A_187] {strides = array<i32>} : memref<632xf32, #tpu.memory_space<vmem>>, vector<16xf32>,
    %swap3A_189 = vector.shape_cast %swap3A_188 : vector<16xf32> to vector<16xf32>
    %swap3A_190 = vector.shape_cast %broadcast_in_dim3A_186 : vector<16xf32> to vector<16xf32>
    tpu.vector_store %arg19[%swap3A_187], %swap3A_190 {strides = array<i32>} : memref<632xf32, #tpu.memory_space<vmem>>, vector<16xf32>,
    %broadcast_in_dim3A_191 = arith.constant 0.000000e+00 : f32
    %broadcast_in_dim3A_192 = vector.broadcast %broadcast_in_dim3A_191 : f32 to vector<16xf32>
    %swap3A_193 = arith.constant 496 : index
    %swap3A_194 = tpu.vector_load %arg19[%swap3A_193] {strides = array<i32>} : memref<632xf32, #tpu.memory_space<vmem>>, vector<16xf32>,
    %swap3A_195 = vector.shape_cast %swap3A_194 : vector<16xf32> to vector<16xf32>
    %swap3A_196 = vector.shape_cast %broadcast_in_dim3A_192 : vector<16xf32> to vector<16xf32>
    tpu.vector_store %arg19[%swap3A_193], %swap3A_196 {strides = array<i32>} : memref<632xf32, #tpu.memory_space<vmem>>, vector<16xf32>,
    %broadcast_in_dim3A_197 = arith.constant 0.000000e+00 : f32
    %broadcast_in_dim3A_198 = vector.broadcast %broadcast_in_dim3A_197 : f32 to vector<16xf32>
    %swap3A_199 = arith.constant 512 : index
    %swap3A_200 = tpu.vector_load %arg19[%swap3A_199] {strides = array<i32>} : memref<632xf32, #tpu.memory_space<vmem>>, vector<16xf32>,
    %swap3A_201 = vector.shape_cast %swap3A_200 : vector<16xf32> to vector<16xf32>
    %swap3A_202 = vector.shape_cast %broadcast_in_dim3A_198 : vector<16xf32> to vector<16xf32>
    tpu.vector_store %arg19[%swap3A_199], %swap3A_202 {strides = array<i32>} : memref<632xf32, #tpu.memory_space<vmem>>, vector<16xf32>,
    %broadcast_in_dim3A_203 = arith.constant 0.000000e+00 : f32
    %broadcast_in_dim3A_204 = vector.broadcast %broadcast_in_dim3A_203 : f32 to vector<16xf32>
    %swap3A_205 = arith.constant 528 : index
    %swap3A_206 = tpu.vector_load %arg19[%swap3A_205] {strides = array<i32>} : memref<632xf32, #tpu.memory_space<vmem>>, vector<16xf32>,
    %swap3A_207 = vector.shape_cast %swap3A_206 : vector<16xf32> to vector<16xf32>
    %swap3A_208 = vector.shape_cast %broadcast_in_dim3A_204 : vector<16xf32> to vector<16xf32>
    tpu.vector_store %arg19[%swap3A_205], %swap3A_208 {strides = array<i32>} : memref<632xf32, #tpu.memory_space<vmem>>, vector<16xf32>,
    %broadcast_in_dim3A_209 = arith.constant 0.000000e+00 : f32
    %broadcast_in_dim3A_210 = vector.broadcast %broadcast_in_dim3A_209 : f32 to vector<16xf32>
    %swap3A_211 = arith.constant 544 : index
    %swap3A_212 = tpu.vector_load %arg19[%swap3A_211] {strides = array<i32>} : memref<632xf32, #tpu.memory_space<vmem>>, vector<16xf32>,
    %swap3A_213 = vector.shape_cast %swap3A_212 : vector<16xf32> to vector<16xf32>
    %swap3A_214 = vector.shape_cast %broadcast_in_dim3A_210 : vector<16xf32> to vector<16xf32>
    tpu.vector_store %arg19[%swap3A_211], %swap3A_214 {strides = array<i32>} : memref<632xf32, #tpu.memory_space<vmem>>, vector<16xf32>,
    %broadcast_in_dim3A_215 = arith.constant 0.000000e+00 : f32
    %broadcast_in_dim3A_216 = vector.broadcast %broadcast_in_dim3A_215 : f32 to vector<16xf32>
    %swap3A_217 = arith.constant 560 : index
    %swap3A_218 = tpu.vector_load %arg19[%swap3A_217] {strides = array<i32>} : memref<632xf32, #tpu.memory_space<vmem>>, vector<16xf32>,
    %swap3A_219 = vector.shape_cast %swap3A_218 : vector<16xf32> to vector<16xf32>
    %swap3A_220 = vector.shape_cast %broadcast_in_dim3A_216 : vector<16xf32> to vector<16xf32>
    tpu.vector_store %arg19[%swap3A_217], %swap3A_220 {strides = array<i32>} : memref<632xf32, #tpu.memory_space<vmem>>, vector<16xf32>,
    %broadcast_in_dim3A_221 = arith.constant 0.000000e+00 : f32
    %broadcast_in_dim3A_222 = vector.broadcast %broadcast_in_dim3A_221 : f32 to vector<16xf32>
    %swap3A_223 = arith.constant 576 : index
    %swap3A_224 = tpu.vector_load %arg19[%swap3A_223] {strides = array<i32>} : memref<632xf32, #tpu.memory_space<vmem>>, vector<16xf32>,
    %swap3A_225 = vector.shape_cast %swap3A_224 : vector<16xf32> to vector<16xf32>
    %swap3A_226 = vector.shape_cast %broadcast_in_dim3A_222 : vector<16xf32> to vector<16xf32>
    tpu.vector_store %arg19[%swap3A_223], %swap3A_226 {strides = array<i32>} : memref<632xf32, #tpu.memory_space<vmem>>, vector<16xf32>,
    %broadcast_in_dim3A_227 = arith.constant 0.000000e+00 : f32
    %broadcast_in_dim3A_228 = vector.broadcast %broadcast_in_dim3A_227 : f32 to vector<16xf32>
    %swap3A_229 = arith.constant 592 : index
    %swap3A_230 = tpu.vector_load %arg19[%swap3A_229] {strides = array<i32>} : memref<632xf32, #tpu.memory_space<vmem>>, vector<16xf32>,
    %swap3A_231 = vector.shape_cast %swap3A_230 : vector<16xf32> to vector<16xf32>
    %swap3A_232 = vector.shape_cast %broadcast_in_dim3A_228 : vector<16xf32> to vector<16xf32>
    tpu.vector_store %arg19[%swap3A_229], %swap3A_232 {strides = array<i32>} : memref<632xf32, #tpu.memory_space<vmem>>, vector<16xf32>,
    %broadcast_in_dim3A_233 = arith.constant 0.000000e+00 : f32
    %broadcast_in_dim3A_234 = vector.broadcast %broadcast_in_dim3A_233 : f32 to vector<16xf32>
    %swap3A_235 = arith.constant 608 : index
    %swap3A_236 = tpu.vector_load %arg19[%swap3A_235] {strides = array<i32>} : memref<632xf32, #tpu.memory_space<vmem>>, vector<16xf32>,
    %swap3A_237 = vector.shape_cast %swap3A_236 : vector<16xf32> to vector<16xf32>
    %swap3A_238 = vector.shape_cast %broadcast_in_dim3A_234 : vector<16xf32> to vector<16xf32>
    tpu.vector_store %arg19[%swap3A_235], %swap3A_238 {strides = array<i32>} : memref<632xf32, #tpu.memory_space<vmem>>, vector<16xf32>,
    %broadcast_in_dim3A_239 = arith.constant 0.000000e+00 : f32
    %broadcast_in_dim3A_240 = vector.broadcast %broadcast_in_dim3A_239 : f32 to vector<16xf32>
    %swap3A_241 = arith.constant 616 : index
    %swap3A_242 = tpu.vector_load %arg19[%swap3A_241] {strides = array<i32>} : memref<632xf32, #tpu.memory_space<vmem>>, vector<16xf32>,
    %swap3A_243 = vector.shape_cast %swap3A_242 : vector<16xf32> to vector<16xf32>
    %swap3A_244 = vector.shape_cast %broadcast_in_dim3A_240 : vector<16xf32> to vector<16xf32>
    tpu.vector_store %arg19[%swap3A_241], %swap3A_244 {strides = array<i32>} : memref<632xf32, #tpu.memory_space<vmem>>, vector<16xf32>,
    %mul3A_245 = arith.constant 632 : i32
    %mul3A_246 = arith.muli %arg1, %mul3A_245 : i32
    "tpu.region"() ({
      %run_scoped3A = tpu.sem_alloc : memref<!tpu.dma_semaphore, #tpu.memory_space<semaphore_mem>>
      %dma_start3A_355 = tpu.memref_slice %arg18[%mul3A_246] : memref<10112xf32, #tpu.memory_space<vmem_shared>> -> memref<632xf32, #tpu.memory_space<vmem_shared>>
      %dma_start3A_356 = tpu.memref_slice %arg18[%mul3A_246] : memref<10112xf32, #tpu.memory_space<vmem_shared>> -> memref<632xf32, #tpu.memory_space<vmem_shared>>
      tpu.enqueue_dma source(%arg19 : memref<632xf32, #tpu.memory_space<vmem>>) target(%dma_start3A_356 : memref<632xf32, #tpu.memory_space<vmem_shared>>) target_semaphore(%run_scoped3A : memref<!tpu.dma_semaphore, #tpu.memory_space<semaphore_mem>>)
      %dma_wait3A = tpu.memref_slice %arg18[%mul3A_246] : memref<10112xf32, #tpu.memory_space<vmem_shared>> -> memref<632xf32, #tpu.memory_space<vmem_shared>>
      %dma_wait3A_357 = tpu.memref_slice %arg18[%mul3A_246] : memref<10112xf32, #tpu.memory_space<vmem_shared>> -> memref<632xf32, #tpu.memory_space<vmem_shared>>
      tpu.wait_dma2 semaphore(%run_scoped3A : memref<!tpu.dma_semaphore, #tpu.memory_space<semaphore_mem>>) src(%arg19 : memref<632xf32, #tpu.memory_space<vmem>>) dst(%dma_wait3A_357 : memref<632xf32, #tpu.memory_space<vmem_shared>>)
      tpu.yield
    }) : () -> ()
    %broadcast_in_dim3A_247 = arith.constant 1.000000e+00 : f32
    %broadcast_in_dim3A_248 = vector.broadcast %broadcast_in_dim3A_247 : f32 to vector<16xf32>
    %swap3A_249 = arith.constant 0 : index
    %swap3A_250 = tpu.vector_load %arg17[%swap3A_249] {strides = array<i32>} : memref<192xf32, #tpu.memory_space<vmem>>, vector<16xf32>,
    %swap3A_251 = vector.shape_cast %swap3A_250 : vector<16xf32> to vector<16xf32>
    %swap3A_252 = vector.shape_cast %broadcast_in_dim3A_248 : vector<16xf32> to vector<16xf32>
    tpu.vector_store %arg17[%swap3A_249], %swap3A_252 {strides = array<i32>} : memref<192xf32, #tpu.memory_space<vmem>>, vector<16xf32>,
    %broadcast_in_dim3A_253 = arith.constant 1.000000e+00 : f32
    %broadcast_in_dim3A_254 = vector.broadcast %broadcast_in_dim3A_253 : f32 to vector<16xf32>
    %swap3A_255 = arith.constant 16 : index
    %swap3A_256 = tpu.vector_load %arg17[%swap3A_255] {strides = array<i32>} : memref<192xf32, #tpu.memory_space<vmem>>, vector<16xf32>,
    %swap3A_257 = vector.shape_cast %swap3A_256 : vector<16xf32> to vector<16xf32>
    %swap3A_258 = vector.shape_cast %broadcast_in_dim3A_254 : vector<16xf32> to vector<16xf32>
    tpu.vector_store %arg17[%swap3A_255], %swap3A_258 {strides = array<i32>} : memref<192xf32, #tpu.memory_space<vmem>>, vector<16xf32>,
    %broadcast_in_dim3A_259 = arith.constant 1.000000e+00 : f32
    %broadcast_in_dim3A_260 = vector.broadcast %broadcast_in_dim3A_259 : f32 to vector<16xf32>
    %swap3A_261 = arith.constant 32 : index
    %swap3A_262 = tpu.vector_load %arg17[%swap3A_261] {strides = array<i32>} : memref<192xf32, #tpu.memory_space<vmem>>, vector<16xf32>,
    %swap3A_263 = vector.shape_cast %swap3A_262 : vector<16xf32> to vector<16xf32>
    %swap3A_264 = vector.shape_cast %broadcast_in_dim3A_260 : vector<16xf32> to vector<16xf32>
    tpu.vector_store %arg17[%swap3A_261], %swap3A_264 {strides = array<i32>} : memref<192xf32, #tpu.memory_space<vmem>>, vector<16xf32>,
    %broadcast_in_dim3A_265 = arith.constant 1.000000e+00 : f32
    %broadcast_in_dim3A_266 = vector.broadcast %broadcast_in_dim3A_265 : f32 to vector<16xf32>
    %swap3A_267 = arith.constant 48 : index
    %swap3A_268 = tpu.vector_load %arg17[%swap3A_267] {strides = array<i32>} : memref<192xf32, #tpu.memory_space<vmem>>, vector<16xf32>,
    %swap3A_269 = vector.shape_cast %swap3A_268 : vector<16xf32> to vector<16xf32>
    %swap3A_270 = vector.shape_cast %broadcast_in_dim3A_266 : vector<16xf32> to vector<16xf32>
    tpu.vector_store %arg17[%swap3A_267], %swap3A_270 {strides = array<i32>} : memref<192xf32, #tpu.memory_space<vmem>>, vector<16xf32>,
    %broadcast_in_dim3A_271 = arith.constant 1.000000e+00 : f32
    %broadcast_in_dim3A_272 = vector.broadcast %broadcast_in_dim3A_271 : f32 to vector<16xf32>
    %swap3A_273 = arith.constant 64 : index
    %swap3A_274 = tpu.vector_load %arg17[%swap3A_273] {strides = array<i32>} : memref<192xf32, #tpu.memory_space<vmem>>, vector<16xf32>,
    %swap3A_275 = vector.shape_cast %swap3A_274 : vector<16xf32> to vector<16xf32>
    %swap3A_276 = vector.shape_cast %broadcast_in_dim3A_272 : vector<16xf32> to vector<16xf32>
    tpu.vector_store %arg17[%swap3A_273], %swap3A_276 {strides = array<i32>} : memref<192xf32, #tpu.memory_space<vmem>>, vector<16xf32>,
    %broadcast_in_dim3A_277 = arith.constant 1.000000e+00 : f32
    %broadcast_in_dim3A_278 = vector.broadcast %broadcast_in_dim3A_277 : f32 to vector<16xf32>
    %swap3A_279 = arith.constant 80 : index
    %swap3A_280 = tpu.vector_load %arg17[%swap3A_279] {strides = array<i32>} : memref<192xf32, #tpu.memory_space<vmem>>, vector<16xf32>,
    %swap3A_281 = vector.shape_cast %swap3A_280 : vector<16xf32> to vector<16xf32>
    %swap3A_282 = vector.shape_cast %broadcast_in_dim3A_278 : vector<16xf32> to vector<16xf32>
    tpu.vector_store %arg17[%swap3A_279], %swap3A_282 {strides = array<i32>} : memref<192xf32, #tpu.memory_space<vmem>>, vector<16xf32>,
    %broadcast_in_dim3A_283 = arith.constant 1.000000e+00 : f32
    %broadcast_in_dim3A_284 = vector.broadcast %broadcast_in_dim3A_283 : f32 to vector<16xf32>
    %swap3A_285 = arith.constant 96 : index
    %swap3A_286 = tpu.vector_load %arg17[%swap3A_285] {strides = array<i32>} : memref<192xf32, #tpu.memory_space<vmem>>, vector<16xf32>,
    %swap3A_287 = vector.shape_cast %swap3A_286 : vector<16xf32> to vector<16xf32>
    %swap3A_288 = vector.shape_cast %broadcast_in_dim3A_284 : vector<16xf32> to vector<16xf32>
    tpu.vector_store %arg17[%swap3A_285], %swap3A_288 {strides = array<i32>} : memref<192xf32, #tpu.memory_space<vmem>>, vector<16xf32>,
    %broadcast_in_dim3A_289 = arith.constant 1.000000e+00 : f32
    %broadcast_in_dim3A_290 = vector.broadcast %broadcast_in_dim3A_289 : f32 to vector<16xf32>
    %swap3A_291 = arith.constant 112 : index
    %swap3A_292 = tpu.vector_load %arg17[%swap3A_291] {strides = array<i32>} : memref<192xf32, #tpu.memory_space<vmem>>, vector<16xf32>,
    %swap3A_293 = vector.shape_cast %swap3A_292 : vector<16xf32> to vector<16xf32>
    %swap3A_294 = vector.shape_cast %broadcast_in_dim3A_290 : vector<16xf32> to vector<16xf32>
    tpu.vector_store %arg17[%swap3A_291], %swap3A_294 {strides = array<i32>} : memref<192xf32, #tpu.memory_space<vmem>>, vector<16xf32>,
    %broadcast_in_dim3A_295 = arith.constant 1.000000e+00 : f32
    %broadcast_in_dim3A_296 = vector.broadcast %broadcast_in_dim3A_295 : f32 to vector<16xf32>
    %swap3A_297 = arith.constant 128 : index
    %swap3A_298 = tpu.vector_load %arg17[%swap3A_297] {strides = array<i32>} : memref<192xf32, #tpu.memory_space<vmem>>, vector<16xf32>,
    %swap3A_299 = vector.shape_cast %swap3A_298 : vector<16xf32> to vector<16xf32>
    %swap3A_300 = vector.shape_cast %broadcast_in_dim3A_296 : vector<16xf32> to vector<16xf32>
    tpu.vector_store %arg17[%swap3A_297], %swap3A_300 {strides = array<i32>} : memref<192xf32, #tpu.memory_space<vmem>>, vector<16xf32>,
    %broadcast_in_dim3A_301 = arith.constant 1.000000e+00 : f32
    %broadcast_in_dim3A_302 = vector.broadcast %broadcast_in_dim3A_301 : f32 to vector<16xf32>
    %swap3A_303 = arith.constant 144 : index
    %swap3A_304 = tpu.vector_load %arg17[%swap3A_303] {strides = array<i32>} : memref<192xf32, #tpu.memory_space<vmem>>, vector<16xf32>,
    %swap3A_305 = vector.shape_cast %swap3A_304 : vector<16xf32> to vector<16xf32>
    %swap3A_306 = vector.shape_cast %broadcast_in_dim3A_302 : vector<16xf32> to vector<16xf32>
    tpu.vector_store %arg17[%swap3A_303], %swap3A_306 {strides = array<i32>} : memref<192xf32, #tpu.memory_space<vmem>>, vector<16xf32>,
    %broadcast_in_dim3A_307 = arith.constant 1.000000e+00 : f32
    %broadcast_in_dim3A_308 = vector.broadcast %broadcast_in_dim3A_307 : f32 to vector<16xf32>
    %swap3A_309 = arith.constant 160 : index
    %swap3A_310 = tpu.vector_load %arg17[%swap3A_309] {strides = array<i32>} : memref<192xf32, #tpu.memory_space<vmem>>, vector<16xf32>,
    %swap3A_311 = vector.shape_cast %swap3A_310 : vector<16xf32> to vector<16xf32>
    %swap3A_312 = vector.shape_cast %broadcast_in_dim3A_308 : vector<16xf32> to vector<16xf32>
    tpu.vector_store %arg17[%swap3A_309], %swap3A_312 {strides = array<i32>} : memref<192xf32, #tpu.memory_space<vmem>>, vector<16xf32>,
    %broadcast_in_dim3A_313 = arith.constant 1.000000e+00 : f32
    %broadcast_in_dim3A_314 = vector.broadcast %broadcast_in_dim3A_313 : f32 to vector<16xf32>
    %swap3A_315 = arith.constant 176 : index
    %swap3A_316 = tpu.vector_load %arg17[%swap3A_315] {strides = array<i32>} : memref<192xf32, #tpu.memory_space<vmem>>, vector<16xf32>,
    %swap3A_317 = vector.shape_cast %swap3A_316 : vector<16xf32> to vector<16xf32>
    %swap3A_318 = vector.shape_cast %broadcast_in_dim3A_314 : vector<16xf32> to vector<16xf32>
    tpu.vector_store %arg17[%swap3A_315], %swap3A_318 {strides = array<i32>} : memref<192xf32, #tpu.memory_space<vmem>>, vector<16xf32>,
    %mul3A_319 = arith.constant 864 : i32
    %mul3A_320 = arith.muli %arg0, %mul3A_319 : i32
    %mul3A_321 = arith.constant 54 : i32
    %mul3A_322 = arith.muli %arg1, %mul3A_321 : i32
    %add3A = arith.addi %mul3A_320, %mul3A_322 : i32
    "tpu.region"() ({
      %run_scoped3A = tpu.sem_alloc : memref<!tpu.dma_semaphore, #tpu.memory_space<semaphore_mem>>
      %dma_start3A_355 = arith.constant 0 : i32
      %dma_start3A_356 = tpu.memref_slice %arg3[%add3A, %dma_start3A_355] : memref<1728x192xi32, #tpu.memory_space<hbm>> -> memref<54x192xi32, #tpu.memory_space<hbm>>
      %dma_start3A_357 = arith.constant 0 : i32
      %dma_start3A_358 = tpu.memref_slice %arg3[%add3A, %dma_start3A_357] : memref<1728x192xi32, #tpu.memory_space<hbm>> -> memref<54x192xi32, #tpu.memory_space<hbm>>
      tpu.enqueue_dma source(%dma_start3A_358 : memref<54x192xi32, #tpu.memory_space<hbm>>) target(%arg9 : memref<54x192xi32, #tpu.memory_space<vmem>>) target_semaphore(%run_scoped3A : memref<!tpu.dma_semaphore, #tpu.memory_space<semaphore_mem>>)
      %dma_wait3A = arith.constant 0 : i32
      %dma_wait3A_359 = tpu.memref_slice %arg3[%add3A, %dma_wait3A] : memref<1728x192xi32, #tpu.memory_space<hbm>> -> memref<54x192xi32, #tpu.memory_space<hbm>>
      %dma_wait3A_360 = arith.constant 0 : i32
      %dma_wait3A_361 = tpu.memref_slice %arg3[%add3A, %dma_wait3A_360] : memref<1728x192xi32, #tpu.memory_space<hbm>> -> memref<54x192xi32, #tpu.memory_space<hbm>>
      tpu.wait_dma2 semaphore(%run_scoped3A : memref<!tpu.dma_semaphore, #tpu.memory_space<semaphore_mem>>) src(%dma_wait3A_361 : memref<54x192xi32, #tpu.memory_space<hbm>>) dst(%arg9 : memref<54x192xi32, #tpu.memory_space<vmem>>)
      tpu.yield
    }) : () -> ()
    "tpu.region"() ({
      %run_scoped3A = tpu.sem_alloc : memref<!tpu.dma_semaphore, #tpu.memory_space<semaphore_mem>>
      %dma_start3A_355 = arith.constant 0 : i32
      %dma_start3A_356 = tpu.memref_slice %arg4[%add3A, %dma_start3A_355] : memref<1728x192xi32, #tpu.memory_space<hbm>> -> memref<54x192xi32, #tpu.memory_space<hbm>>
      %dma_start3A_357 = arith.constant 0 : i32
      %dma_start3A_358 = tpu.memref_slice %arg4[%add3A, %dma_start3A_357] : memref<1728x192xi32, #tpu.memory_space<hbm>> -> memref<54x192xi32, #tpu.memory_space<hbm>>
      tpu.enqueue_dma source(%dma_start3A_358 : memref<54x192xi32, #tpu.memory_space<hbm>>) target(%arg10 : memref<54x192xi32, #tpu.memory_space<vmem>>) target_semaphore(%run_scoped3A : memref<!tpu.dma_semaphore, #tpu.memory_space<semaphore_mem>>)
      %dma_wait3A = arith.constant 0 : i32
      %dma_wait3A_359 = tpu.memref_slice %arg4[%add3A, %dma_wait3A] : memref<1728x192xi32, #tpu.memory_space<hbm>> -> memref<54x192xi32, #tpu.memory_space<hbm>>
      %dma_wait3A_360 = arith.constant 0 : i32
      %dma_wait3A_361 = tpu.memref_slice %arg4[%add3A, %dma_wait3A_360] : memref<1728x192xi32, #tpu.memory_space<hbm>> -> memref<54x192xi32, #tpu.memory_space<hbm>>
      tpu.wait_dma2 semaphore(%run_scoped3A : memref<!tpu.dma_semaphore, #tpu.memory_space<semaphore_mem>>) src(%dma_wait3A_361 : memref<54x192xi32, #tpu.memory_space<hbm>>) dst(%arg10 : memref<54x192xi32, #tpu.memory_space<vmem>>)
      tpu.yield
    }) : () -> ()
    %barrier3A = arith.constant 0 : index
    tpu.barrier barrier_id(%barrier3A)
    %dma_start3A = arith.constant 0 : i32
    %dma_start3A_323 = arith.constant 0 : i32
    %dma_start3A_324 = tpu.memref_slice %arg9[%dma_start3A, %dma_start3A_323] : memref<54x192xi32, #tpu.memory_space<vmem>> -> memref<1x192xi32, #tpu.memory_space<vmem>>
    %dma_start3A_325 = tpu.memref_squeeze %dma_start3A_324 : memref<1x192xi32, #tpu.memory_space<vmem>> -> memref<192xi32, #tpu.memory_space<vmem>>
    %dma_start3A_326 = arith.constant 0 : i32
    %dma_start3A_327 = arith.constant 0 : i32
    %dma_start3A_328 = tpu.memref_slice %arg13[%dma_start3A_326, %dma_start3A_327] : memref<10000x64xf32, #tpu.memory_space<vmem_shared>> -> memref<10000x64xf32, #tpu.memory_space<vmem_shared>>
    tpu.enqueue_indirect_dma source(%dma_start3A_328 : memref<10000x64xf32, #tpu.memory_space<vmem_shared>>) target(%arg11 : memref<192x64xf32, #tpu.memory_space<vmem>>) offsets(%dma_start3A_325 : memref<192xi32, #tpu.memory_space<vmem>>) semaphore(%arg15 : memref<!tpu.dma_semaphore, #tpu.memory_space<semaphore_mem>>)
    %dma_start3A_329 = arith.constant 1 : i32
    %dma_start3A_330 = arith.constant 0 : i32
    %dma_start3A_331 = tpu.memref_slice %arg9[%dma_start3A_329, %dma_start3A_330] : memref<54x192xi32, #tpu.memory_space<vmem>> -> memref<1x192xi32, #tpu.memory_space<vmem>>
    %dma_start3A_332 = tpu.memref_squeeze %dma_start3A_331 : memref<1x192xi32, #tpu.memory_space<vmem>> -> memref<192xi32, #tpu.memory_space<vmem>>
    %dma_start3A_333 = arith.constant 0 : i32
    %dma_start3A_334 = arith.constant 0 : i32
    %dma_start3A_335 = tpu.memref_slice %arg13[%dma_start3A_333, %dma_start3A_334] : memref<10000x64xf32, #tpu.memory_space<vmem_shared>> -> memref<10000x64xf32, #tpu.memory_space<vmem_shared>>
    tpu.enqueue_indirect_dma source(%dma_start3A_335 : memref<10000x64xf32, #tpu.memory_space<vmem_shared>>) target(%arg12 : memref<192x64xf32, #tpu.memory_space<vmem>>) offsets(%dma_start3A_332 : memref<192xi32, #tpu.memory_space<vmem>>) semaphore(%arg15 : memref<!tpu.dma_semaphore, #tpu.memory_space<semaphore_mem>>)
    %scan3A = arith.constant 0 : i32
    %scan3A_336 = arith.constant 0 : i32
    %scan3A_337 = arith.constant 27 : i32
    %scan3A_338 = arith.addi %scan3A_336, %scan3A_337 : i32
    %scan3A_339 = arith.constant 1 : i32
    scf.for %scan3A_355 = %scan3A_336 to %scan3A_338 step %scan3A_339  : i32 {
      %mul3A_356 = arith.constant 2 : i32
      %mul3A_357 = arith.muli %mul3A_356, %scan3A_355 : i32
      %mul3A_358 = arith.constant 2 : i32
      %mul3A_359 = arith.muli %mul3A_358, %scan3A_355 : i32
      %add3A_360 = arith.constant 1 : i32
      %add3A_361 = arith.addi %mul3A_359, %add3A_360 : i32
      %dma_wait3A = arith.constant 0 : i32
      %dma_wait3A_362 = arith.constant 0 : i32
      %dma_wait3A_363 = tpu.memref_slice %arg9[%dma_wait3A, %dma_wait3A_362] : memref<54x192xi32, #tpu.memory_space<vmem>> -> memref<1x192xi32, #tpu.memory_space<vmem>>
      %dma_wait3A_364 = tpu.memref_squeeze %dma_wait3A_363 : memref<1x192xi32, #tpu.memory_space<vmem>> -> memref<192xi32, #tpu.memory_space<vmem>>
      %dma_wait3A_365 = arith.constant 0 : i32
      %dma_wait3A_366 = arith.constant 0 : i32
      %dma_wait3A_367 = tpu.memref_slice %arg13[%dma_wait3A_365, %dma_wait3A_366] : memref<10000x64xf32, #tpu.memory_space<vmem_shared>> -> memref<10000x64xf32, #tpu.memory_space<vmem_shared>>
      tpu.wait_indirect_dma semaphore(%arg15 : memref<!tpu.dma_semaphore, #tpu.memory_space<semaphore_mem>>) src(%dma_wait3A_367 : memref<10000x64xf32, #tpu.memory_space<vmem_shared>>) dst(%arg11 : memref<192x64xf32, #tpu.memory_space<vmem>>)
      %dma_start3A_368 = arith.constant 0 : i32
      %dma_start3A_369 = tpu.memref_slice %arg10[%mul3A_357, %dma_start3A_368] : memref<54x192xi32, #tpu.memory_space<vmem>> -> memref<1x192xi32, #tpu.memory_space<vmem>>
      %dma_start3A_370 = tpu.memref_squeeze %dma_start3A_369 : memref<1x192xi32, #tpu.memory_space<vmem>> -> memref<192xi32, #tpu.memory_space<vmem>>
      %dma_start3A_371 = arith.constant 0 : i32
      %dma_start3A_372 = arith.constant 0 : i32
      %dma_start3A_373 = tpu.memref_slice %arg14[%dma_start3A_371, %dma_start3A_372] : memref<10112x64xf32, #tpu.memory_space<vmem_shared>> -> memref<10112x64xf32, #tpu.memory_space<vmem_shared>>
      tpu.enqueue_indirect_dma source(%arg11 : memref<192x64xf32, #tpu.memory_space<vmem>>) target(%dma_start3A_373 : memref<10112x64xf32, #tpu.memory_space<vmem_shared>>) offsets(%dma_start3A_370 : memref<192xi32, #tpu.memory_space<vmem>>) semaphore(%arg16 : memref<!tpu.dma_semaphore, #tpu.memory_space<semaphore_mem>>) {add = true}
      %dma_start3A_374 = arith.constant 0 : i32
      %dma_start3A_375 = tpu.memref_slice %arg10[%mul3A_357, %dma_start3A_374] : memref<54x192xi32, #tpu.memory_space<vmem>> -> memref<1x192xi32, #tpu.memory_space<vmem>>
      %dma_start3A_376 = tpu.memref_squeeze %dma_start3A_375 : memref<1x192xi32, #tpu.memory_space<vmem>> -> memref<192xi32, #tpu.memory_space<vmem>>
      %dma_start3A_377 = arith.constant 0 : i32
      %dma_start3A_378 = tpu.memref_slice %arg18[%dma_start3A_377] : memref<10112xf32, #tpu.memory_space<vmem_shared>> -> memref<10112xf32, #tpu.memory_space<vmem_shared>>
      tpu.enqueue_indirect_dma source(%arg17 : memref<192xf32, #tpu.memory_space<vmem>>) target(%dma_start3A_378 : memref<10112xf32, #tpu.memory_space<vmem_shared>>) offsets(%dma_start3A_376 : memref<192xi32, #tpu.memory_space<vmem>>) semaphore(%arg20 : memref<!tpu.dma_semaphore, #tpu.memory_space<semaphore_mem>>) {add = true}
      %dma_wait3A_379 = arith.constant 0 : i32
      %dma_wait3A_380 = arith.constant 0 : i32
      %dma_wait3A_381 = tpu.memref_slice %arg9[%dma_wait3A_379, %dma_wait3A_380] : memref<54x192xi32, #tpu.memory_space<vmem>> -> memref<1x192xi32, #tpu.memory_space<vmem>>
      %dma_wait3A_382 = tpu.memref_squeeze %dma_wait3A_381 : memref<1x192xi32, #tpu.memory_space<vmem>> -> memref<192xi32, #tpu.memory_space<vmem>>
      %dma_wait3A_383 = arith.constant 0 : i32
      %dma_wait3A_384 = arith.constant 0 : i32
      %dma_wait3A_385 = tpu.memref_slice %arg13[%dma_wait3A_383, %dma_wait3A_384] : memref<10000x64xf32, #tpu.memory_space<vmem_shared>> -> memref<10000x64xf32, #tpu.memory_space<vmem_shared>>
      tpu.wait_indirect_dma semaphore(%arg15 : memref<!tpu.dma_semaphore, #tpu.memory_space<semaphore_mem>>) src(%dma_wait3A_385 : memref<10000x64xf32, #tpu.memory_space<vmem_shared>>) dst(%arg12 : memref<192x64xf32, #tpu.memory_space<vmem>>)
      %dma_start3A_386 = arith.constant 0 : i32
      %dma_start3A_387 = tpu.memref_slice %arg10[%add3A_361, %dma_start3A_386] : memref<54x192xi32, #tpu.memory_space<vmem>> -> memref<1x192xi32, #tpu.memory_space<vmem>>
      %dma_start3A_388 = tpu.memref_squeeze %dma_start3A_387 : memref<1x192xi32, #tpu.memory_space<vmem>> -> memref<192xi32, #tpu.memory_space<vmem>>
      %dma_start3A_389 = arith.constant 0 : i32
      %dma_start3A_390 = arith.constant 0 : i32
      %dma_start3A_391 = tpu.memref_slice %arg14[%dma_start3A_389, %dma_start3A_390] : memref<10112x64xf32, #tpu.memory_space<vmem_shared>> -> memref<10112x64xf32, #tpu.memory_space<vmem_shared>>
      tpu.enqueue_indirect_dma source(%arg12 : memref<192x64xf32, #tpu.memory_space<vmem>>) target(%dma_start3A_391 : memref<10112x64xf32, #tpu.memory_space<vmem_shared>>) offsets(%dma_start3A_388 : memref<192xi32, #tpu.memory_space<vmem>>) semaphore(%arg16 : memref<!tpu.dma_semaphore, #tpu.memory_space<semaphore_mem>>) {add = true}
      %dma_start3A_392 = arith.constant 0 : i32
      %dma_start3A_393 = tpu.memref_slice %arg10[%add3A_361, %dma_start3A_392] : memref<54x192xi32, #tpu.memory_space<vmem>> -> memref<1x192xi32, #tpu.memory_space<vmem>>
      %dma_start3A_394 = tpu.memref_squeeze %dma_start3A_393 : memref<1x192xi32, #tpu.memory_space<vmem>> -> memref<192xi32, #tpu.memory_space<vmem>>
      %dma_start3A_395 = arith.constant 0 : i32
      %dma_start3A_396 = tpu.memref_slice %arg18[%dma_start3A_395] : memref<10112xf32, #tpu.memory_space<vmem_shared>> -> memref<10112xf32, #tpu.memory_space<vmem_shared>>
      tpu.enqueue_indirect_dma source(%arg17 : memref<192xf32, #tpu.memory_space<vmem>>) target(%dma_start3A_396 : memref<10112xf32, #tpu.memory_space<vmem_shared>>) offsets(%dma_start3A_394 : memref<192xi32, #tpu.memory_space<vmem>>) semaphore(%arg20 : memref<!tpu.dma_semaphore, #tpu.memory_space<semaphore_mem>>) {add = true}
      %dma_wait3A_397 = arith.constant 0 : i32
      %dma_wait3A_398 = arith.constant 0 : i32
      %dma_wait3A_399 = tpu.memref_slice %arg10[%dma_wait3A_397, %dma_wait3A_398] : memref<54x192xi32, #tpu.memory_space<vmem>> -> memref<1x192xi32, #tpu.memory_space<vmem>>
      %dma_wait3A_400 = tpu.memref_squeeze %dma_wait3A_399 : memref<1x192xi32, #tpu.memory_space<vmem>> -> memref<192xi32, #tpu.memory_space<vmem>>
      %dma_wait3A_401 = arith.constant 0 : i32
      %dma_wait3A_402 = arith.constant 0 : i32
      %dma_wait3A_403 = tpu.memref_slice %arg14[%dma_wait3A_401, %dma_wait3A_402] : memref<10112x64xf32, #tpu.memory_space<vmem_shared>> -> memref<10112x64xf32, #tpu.memory_space<vmem_shared>>
      tpu.wait_indirect_dma semaphore(%arg16 : memref<!tpu.dma_semaphore, #tpu.memory_space<semaphore_mem>>) src(%arg11 : memref<192x64xf32, #tpu.memory_space<vmem>>) dst(%dma_wait3A_403 : memref<10112x64xf32, #tpu.memory_space<vmem_shared>>)
      %dma_wait3A_404 = arith.constant 0 : i32
      %dma_wait3A_405 = arith.constant 0 : i32
      %dma_wait3A_406 = tpu.memref_slice %arg10[%dma_wait3A_404, %dma_wait3A_405] : memref<54x192xi32, #tpu.memory_space<vmem>> -> memref<1x192xi32, #tpu.memory_space<vmem>>
      %dma_wait3A_407 = tpu.memref_squeeze %dma_wait3A_406 : memref<1x192xi32, #tpu.memory_space<vmem>> -> memref<192xi32, #tpu.memory_space<vmem>>
      %dma_wait3A_408 = arith.constant 0 : i32
      %dma_wait3A_409 = tpu.memref_slice %arg18[%dma_wait3A_408] : memref<10112xf32, #tpu.memory_space<vmem_shared>> -> memref<10112xf32, #tpu.memory_space<vmem_shared>>
      tpu.wait_indirect_dma semaphore(%arg20 : memref<!tpu.dma_semaphore, #tpu.memory_space<semaphore_mem>>) src(%arg17 : memref<192xf32, #tpu.memory_space<vmem>>) dst(%dma_wait3A_409 : memref<10112xf32, #tpu.memory_space<vmem_shared>>)
      %add3A_410 = arith.constant 2 : i32
      %add3A_411 = arith.addi %mul3A_357, %add3A_410 : i32
      %lt3A = arith.constant 54 : i32
      %lt3A_412 = arith.cmpi slt, %add3A_411, %lt3A : i32
      %convert_element_type3A_413 = arith.extui %lt3A_412 : i1 to i32
      %cond3A_414 = arith.constant 0 : i32
      %cond3A_415 = arith.cmpi ne, %convert_element_type3A_413, %cond3A_414 : i32
      scf.if %cond3A_415 {
        %add3A_436 = arith.constant 2 : i32
        %add3A_437 = arith.addi %mul3A_357, %add3A_436 : i32
        %dma_start3A_438 = arith.constant 0 : i32
        %dma_start3A_439 = tpu.memref_slice %arg9[%add3A_437, %dma_start3A_438] : memref<54x192xi32, #tpu.memory_space<vmem>> -> memref<1x192xi32, #tpu.memory_space<vmem>>
        %dma_start3A_440 = tpu.memref_squeeze %dma_start3A_439 : memref<1x192xi32, #tpu.memory_space<vmem>> -> memref<192xi32, #tpu.memory_space<vmem>>
        %dma_start3A_441 = arith.constant 0 : i32
        %dma_start3A_442 = arith.constant 0 : i32
        %dma_start3A_443 = tpu.memref_slice %arg13[%dma_start3A_441, %dma_start3A_442] : memref<10000x64xf32, #tpu.memory_space<vmem_shared>> -> memref<10000x64xf32, #tpu.memory_space<vmem_shared>>
        tpu.enqueue_indirect_dma source(%dma_start3A_443 : memref<10000x64xf32, #tpu.memory_space<vmem_shared>>) target(%arg11 : memref<192x64xf32, #tpu.memory_space<vmem>>) offsets(%dma_start3A_440 : memref<192xi32, #tpu.memory_space<vmem>>) semaphore(%arg15 : memref<!tpu.dma_semaphore, #tpu.memory_space<semaphore_mem>>)
      } else {
      }
      %dma_wait3A_416 = arith.constant 0 : i32
      %dma_wait3A_417 = arith.constant 0 : i32
      %dma_wait3A_418 = tpu.memref_slice %arg10[%dma_wait3A_416, %dma_wait3A_417] : memref<54x192xi32, #tpu.memory_space<vmem>> -> memref<1x192xi32, #tpu.memory_space<vmem>>
      %dma_wait3A_419 = tpu.memref_squeeze %dma_wait3A_418 : memref<1x192xi32, #tpu.memory_space<vmem>> -> memref<192xi32, #tpu.memory_space<vmem>>
      %dma_wait3A_420 = arith.constant 0 : i32
      %dma_wait3A_421 = arith.constant 0 : i32
      %dma_wait3A_422 = tpu.memref_slice %arg14[%dma_wait3A_420, %dma_wait3A_421] : memref<10112x64xf32, #tpu.memory_space<vmem_shared>> -> memref<10112x64xf32, #tpu.memory_space<vmem_shared>>
      tpu.wait_indirect_dma semaphore(%arg16 : memref<!tpu.dma_semaphore, #tpu.memory_space<semaphore_mem>>) src(%arg12 : memref<192x64xf32, #tpu.memory_space<vmem>>) dst(%dma_wait3A_422 : memref<10112x64xf32, #tpu.memory_space<vmem_shared>>)
      %dma_wait3A_423 = arith.constant 0 : i32
      %dma_wait3A_424 = arith.constant 0 : i32
      %dma_wait3A_425 = tpu.memref_slice %arg10[%dma_wait3A_423, %dma_wait3A_424] : memref<54x192xi32, #tpu.memory_space<vmem>> -> memref<1x192xi32, #tpu.memory_space<vmem>>
      %dma_wait3A_426 = tpu.memref_squeeze %dma_wait3A_425 : memref<1x192xi32, #tpu.memory_space<vmem>> -> memref<192xi32, #tpu.memory_space<vmem>>
      %dma_wait3A_427 = arith.constant 0 : i32
      %dma_wait3A_428 = tpu.memref_slice %arg18[%dma_wait3A_427] : memref<10112xf32, #tpu.memory_space<vmem_shared>> -> memref<10112xf32, #tpu.memory_space<vmem_shared>>
      tpu.wait_indirect_dma semaphore(%arg20 : memref<!tpu.dma_semaphore, #tpu.memory_space<semaphore_mem>>) src(%arg17 : memref<192xf32, #tpu.memory_space<vmem>>) dst(%dma_wait3A_428 : memref<10112xf32, #tpu.memory_space<vmem_shared>>)
      %add3A_429 = arith.constant 2 : i32
      %add3A_430 = arith.addi %add3A_361, %add3A_429 : i32
      %lt3A_431 = arith.constant 54 : i32
      %lt3A_432 = arith.cmpi slt, %add3A_430, %lt3A_431 : i32
      %convert_element_type3A_433 = arith.extui %lt3A_432 : i1 to i32
      %cond3A_434 = arith.constant 0 : i32
      %cond3A_435 = arith.cmpi ne, %convert_element_type3A_433, %cond3A_434 : i32
      scf.if %cond3A_435 {
        %add3A_436 = arith.constant 2 : i32
        %add3A_437 = arith.addi %add3A_361, %add3A_436 : i32
        %dma_start3A_438 = arith.constant 0 : i32
        %dma_start3A_439 = tpu.memref_slice %arg9[%add3A_437, %dma_start3A_438] : memref<54x192xi32, #tpu.memory_space<vmem>> -> memref<1x192xi32, #tpu.memory_space<vmem>>
        %dma_start3A_440 = tpu.memref_squeeze %dma_start3A_439 : memref<1x192xi32, #tpu.memory_space<vmem>> -> memref<192xi32, #tpu.memory_space<vmem>>
        %dma_start3A_441 = arith.constant 0 : i32
        %dma_start3A_442 = arith.constant 0 : i32
        %dma_start3A_443 = tpu.memref_slice %arg13[%dma_start3A_441, %dma_start3A_442] : memref<10000x64xf32, #tpu.memory_space<vmem_shared>> -> memref<10000x64xf32, #tpu.memory_space<vmem_shared>>
        tpu.enqueue_indirect_dma source(%dma_start3A_443 : memref<10000x64xf32, #tpu.memory_space<vmem_shared>>) target(%arg12 : memref<192x64xf32, #tpu.memory_space<vmem>>) offsets(%dma_start3A_440 : memref<192xi32, #tpu.memory_space<vmem>>) semaphore(%arg15 : memref<!tpu.dma_semaphore, #tpu.memory_space<semaphore_mem>>)
      } else {
      }
    }
    %scan3A_340 = arith.constant 27 : i32
    %barrier3A_341 = arith.constant 0 : index
    tpu.barrier barrier_id(%barrier3A_341)
    %mul3A_342 = arith.constant 632 : i32
    %mul3A_343 = arith.muli %arg1, %mul3A_342 : i32
    %mul3A_344 = arith.constant 632 : i32
    %mul3A_345 = arith.muli %arg1, %mul3A_344 : i32
    "tpu.region"() ({
      %run_scoped3A = tpu.sem_alloc : memref<!tpu.dma_semaphore, #tpu.memory_space<semaphore_mem>>
      %dma_start3A_355 = arith.constant 0 : i32
      %dma_start3A_356 = tpu.memref_slice %arg6[%arg0, %mul3A_345, %dma_start3A_355] : memref<2x10112x64xf32, #tpu.memory_space<hbm>> -> memref<1x632x64xf32, #tpu.memory_space<hbm>>
      %dma_start3A_357 = tpu.memref_squeeze %dma_start3A_356 : memref<1x632x64xf32, #tpu.memory_space<hbm>> -> memref<632x64xf32, #tpu.memory_space<hbm>>
      %dma_start3A_358 = arith.constant 0 : i32
      %dma_start3A_359 = tpu.memref_slice %arg14[%mul3A_343, %dma_start3A_358] : memref<10112x64xf32, #tpu.memory_space<vmem_shared>> -> memref<632x64xf32, #tpu.memory_space<vmem_shared>>
      tpu.enqueue_dma source(%dma_start3A_359 : memref<632x64xf32, #tpu.memory_space<vmem_shared>>) target(%dma_start3A_357 : memref<632x64xf32, #tpu.memory_space<hbm>>) target_semaphore(%run_scoped3A : memref<!tpu.dma_semaphore, #tpu.memory_space<semaphore_mem>>)
      %dma_wait3A = arith.constant 0 : i32
      %dma_wait3A_360 = tpu.memref_slice %arg6[%arg0, %mul3A_345, %dma_wait3A] : memref<2x10112x64xf32, #tpu.memory_space<hbm>> -> memref<1x632x64xf32, #tpu.memory_space<hbm>>
      %dma_wait3A_361 = tpu.memref_squeeze %dma_wait3A_360 : memref<1x632x64xf32, #tpu.memory_space<hbm>> -> memref<632x64xf32, #tpu.memory_space<hbm>>
      %dma_wait3A_362 = arith.constant 0 : i32
      %dma_wait3A_363 = tpu.memref_slice %arg14[%mul3A_343, %dma_wait3A_362] : memref<10112x64xf32, #tpu.memory_space<vmem_shared>> -> memref<632x64xf32, #tpu.memory_space<vmem_shared>>
      tpu.wait_dma2 semaphore(%run_scoped3A : memref<!tpu.dma_semaphore, #tpu.memory_space<semaphore_mem>>) src(%dma_wait3A_363 : memref<632x64xf32, #tpu.memory_space<vmem_shared>>) dst(%dma_wait3A_361 : memref<632x64xf32, #tpu.memory_space<hbm>>)
      tpu.yield
    }) : () -> ()
    %mul3A_346 = arith.constant 632 : i32
    %mul3A_347 = arith.muli %arg1, %mul3A_346 : i32
    "tpu.region"() ({
      %run_scoped3A = tpu.sem_alloc : memref<!tpu.dma_semaphore, #tpu.memory_space<semaphore_mem>>
      %dma_start3A_355 = tpu.memref_slice %arg18[%mul3A_347] : memref<10112xf32, #tpu.memory_space<vmem_shared>> -> memref<632xf32, #tpu.memory_space<vmem_shared>>
      %dma_start3A_356 = tpu.memref_slice %arg18[%mul3A_347] : memref<10112xf32, #tpu.memory_space<vmem_shared>> -> memref<632xf32, #tpu.memory_space<vmem_shared>>
      tpu.enqueue_dma source(%dma_start3A_356 : memref<632xf32, #tpu.memory_space<vmem_shared>>) target(%arg19 : memref<632xf32, #tpu.memory_space<vmem>>) target_semaphore(%run_scoped3A : memref<!tpu.dma_semaphore, #tpu.memory_space<semaphore_mem>>)
      %dma_wait3A = tpu.memref_slice %arg18[%mul3A_347] : memref<10112xf32, #tpu.memory_space<vmem_shared>> -> memref<632xf32, #tpu.memory_space<vmem_shared>>
      %dma_wait3A_357 = tpu.memref_slice %arg18[%mul3A_347] : memref<10112xf32, #tpu.memory_space<vmem_shared>> -> memref<632xf32, #tpu.memory_space<vmem_shared>>
      tpu.wait_dma2 semaphore(%run_scoped3A : memref<!tpu.dma_semaphore, #tpu.memory_space<semaphore_mem>>) src(%dma_wait3A_357 : memref<632xf32, #tpu.memory_space<vmem_shared>>) dst(%arg19 : memref<632xf32, #tpu.memory_space<vmem>>)
      tpu.yield
    }) : () -> ()
    %eq3A = arith.constant 0 : i32
    %eq3A_348 = arith.cmpi eq, %arg0, %eq3A : i32
    %convert_element_type3A = arith.extui %eq3A_348 : i1 to i32
    %cond3A = arith.constant 0 : i32
    %cond3A_349 = arith.cmpi ne, %convert_element_type3A, %cond3A : i32
    scf.if %cond3A_349 {
      %mul3A_355 = arith.constant 632 : i32
      %mul3A_356 = arith.muli %arg1, %mul3A_355 : i32
      "tpu.region"() ({
        %run_scoped3A = tpu.sem_alloc : memref<!tpu.dma_semaphore, #tpu.memory_space<semaphore_mem>>
        %dma_start3A_357 = tpu.memref_slice %arg7[%mul3A_356] : memref<10112xf32, #tpu.memory_space<hbm>> -> memref<632xf32, #tpu.memory_space<hbm>>
        %dma_start3A_358 = tpu.memref_slice %arg7[%mul3A_356] : memref<10112xf32, #tpu.memory_space<hbm>> -> memref<632xf32, #tpu.memory_space<hbm>>
        tpu.enqueue_dma source(%arg19 : memref<632xf32, #tpu.memory_space<vmem>>) target(%dma_start3A_358 : memref<632xf32, #tpu.memory_space<hbm>>) target_semaphore(%run_scoped3A : memref<!tpu.dma_semaphore, #tpu.memory_space<semaphore_mem>>)
        %dma_wait3A = tpu.memref_slice %arg7[%mul3A_356] : memref<10112xf32, #tpu.memory_space<hbm>> -> memref<632xf32, #tpu.memory_space<hbm>>
        %dma_wait3A_359 = tpu.memref_slice %arg7[%mul3A_356] : memref<10112xf32, #tpu.memory_space<hbm>> -> memref<632xf32, #tpu.memory_space<hbm>>
        tpu.wait_dma2 semaphore(%run_scoped3A : memref<!tpu.dma_semaphore, #tpu.memory_space<semaphore_mem>>) src(%arg19 : memref<632xf32, #tpu.memory_space<vmem>>) dst(%dma_wait3A_359 : memref<632xf32, #tpu.memory_space<hbm>>)
        tpu.yield
      }) : () -> ()
    } else {
    }
    %eq3A_350 = arith.constant 1 : i32
    %eq3A_351 = arith.cmpi eq, %arg0, %eq3A_350 : i32
    %convert_element_type3A_352 = arith.extui %eq3A_351 : i1 to i32
    %cond3A_353 = arith.constant 0 : i32
    %cond3A_354 = arith.cmpi ne, %convert_element_type3A_352, %cond3A_353 : i32
    scf.if %cond3A_354 {
      %mul3A_355 = arith.constant 632 : i32
      %mul3A_356 = arith.muli %arg1, %mul3A_355 : i32
      "tpu.region"() ({
        %run_scoped3A = tpu.sem_alloc : memref<!tpu.dma_semaphore, #tpu.memory_space<semaphore_mem>>
        %dma_start3A_357 = tpu.memref_slice %arg8[%mul3A_356] : memref<10112xf32, #tpu.memory_space<hbm>> -> memref<632xf32, #tpu.memory_space<hbm>>
        %dma_start3A_358 = tpu.memref_slice %arg8[%mul3A_356] : memref<10112xf32, #tpu.memory_space<hbm>> -> memref<632xf32, #tpu.memory_space<hbm>>
        tpu.enqueue_dma source(%arg19 : memref<632xf32, #tpu.memory_space<vmem>>) target(%dma_start3A_358 : memref<632xf32, #tpu.memory_space<hbm>>) target_semaphore(%run_scoped3A : memref<!tpu.dma_semaphore, #tpu.memory_space<semaphore_mem>>)
        %dma_wait3A = tpu.memref_slice %arg8[%mul3A_356] : memref<10112xf32, #tpu.memory_space<hbm>> -> memref<632xf32, #tpu.memory_space<hbm>>
        %dma_wait3A_359 = tpu.memref_slice %arg8[%mul3A_356] : memref<10112xf32, #tpu.memory_space<hbm>> -> memref<632xf32, #tpu.memory_space<hbm>>
        tpu.wait_dma2 semaphore(%run_scoped3A : memref<!tpu.dma_semaphore, #tpu.memory_space<semaphore_mem>>) src(%arg19 : memref<632xf32, #tpu.memory_space<vmem>>) dst(%dma_wait3A_359 : memref<632xf32, #tpu.memory_space<hbm>>)
        tpu.yield
      }) : () -> ()
    } else {
    }
    return
  }
}

#map = affine_map<(d0, d1) -> (0, 0)>
#map1 = affine_map<(d0, d1) -> (0, 0, 0)>
module attributes {stable_mosaic.version = 14 : i64} {
  func.func @body(%arg0: i32, %arg1: i32, %arg2: memref<10000x64xf32, #tpu.memory_space<hbm>>, %arg3: memref<1728x192xi32, #tpu.memory_space<hbm>>, %arg4: memref<1728x192xi32, #tpu.memory_space<hbm>>, %arg5: memref<10112x64xf32, #tpu.memory_space<hbm>>, %arg6: memref<2x10112x64xf32, #tpu.memory_space<hbm>>, %arg7: memref<54x192xi32, #tpu.memory_space<vmem>>, %arg8: memref<54x192xi32, #tpu.memory_space<vmem>>, %arg9: memref<192x64xf32, #tpu.memory_space<vmem>>, %arg10: memref<192x64xf32, #tpu.memory_space<vmem>>, %arg11: memref<10000x64xf32, #tpu.memory_space<vmem_shared>>, %arg12: memref<10112x64xf32, #tpu.memory_space<vmem_shared>>, %arg13: memref<!tpu.dma_semaphore, #tpu.memory_space<semaphore_mem>>, %arg14: memref<!tpu.dma_semaphore, #tpu.memory_space<semaphore_mem>>) attributes {dimension_semantics = [#tpu.dimension_semantics<core_parallel>, #tpu.dimension_semantics<subcore_parallel>], iteration_bounds = array<i64: 2, 16>, scalar_prefetch = 0 : i64, scratch_operands = 8 : i64, tpu.core_type = #tpu.core_type<sc_vector_subcore>, window_params = [{transform_indices = #map}, {transform_indices = #map}, {transform_indices = #map}, {transform_indices = #map}, {transform_indices = #map1}]} {
    %mul3A = arith.constant 625 : i32
    %mul3A_0 = arith.muli %arg1, %mul3A : i32
    %mul3A_1 = arith.constant 625 : i32
    %mul3A_2 = arith.muli %arg1, %mul3A_1 : i32
    "tpu.region"() ({
      %run_scoped3A = tpu.sem_alloc : memref<!tpu.dma_semaphore, #tpu.memory_space<semaphore_mem>>
      %dma_start3A_34 = arith.constant 0 : i32
      %dma_start3A_35 = tpu.memref_slice %arg11[%mul3A_2, %dma_start3A_34] : memref<10000x64xf32, #tpu.memory_space<vmem_shared>> -> memref<625x64xf32, #tpu.memory_space<vmem_shared>>
      %dma_start3A_36 = arith.constant 0 : i32
      %dma_start3A_37 = tpu.memref_slice %arg2[%mul3A_0, %dma_start3A_36] : memref<10000x64xf32, #tpu.memory_space<hbm>> -> memref<625x64xf32, #tpu.memory_space<hbm>>
      tpu.enqueue_dma source(%dma_start3A_37 : memref<625x64xf32, #tpu.memory_space<hbm>>) target(%dma_start3A_35 : memref<625x64xf32, #tpu.memory_space<vmem_shared>>) target_semaphore(%run_scoped3A : memref<!tpu.dma_semaphore, #tpu.memory_space<semaphore_mem>>)
      %dma_wait3A = arith.constant 0 : i32
      %dma_wait3A_38 = tpu.memref_slice %arg11[%mul3A_2, %dma_wait3A] : memref<10000x64xf32, #tpu.memory_space<vmem_shared>> -> memref<625x64xf32, #tpu.memory_space<vmem_shared>>
      %dma_wait3A_39 = arith.constant 0 : i32
      %dma_wait3A_40 = tpu.memref_slice %arg2[%mul3A_0, %dma_wait3A_39] : memref<10000x64xf32, #tpu.memory_space<hbm>> -> memref<625x64xf32, #tpu.memory_space<hbm>>
      tpu.wait_dma2 semaphore(%run_scoped3A : memref<!tpu.dma_semaphore, #tpu.memory_space<semaphore_mem>>) src(%dma_wait3A_40 : memref<625x64xf32, #tpu.memory_space<hbm>>) dst(%dma_wait3A_38 : memref<625x64xf32, #tpu.memory_space<vmem_shared>>)
      tpu.yield
    }) : () -> ()
    %mul3A_3 = arith.constant 632 : i32
    %mul3A_4 = arith.muli %arg1, %mul3A_3 : i32
    %mul3A_5 = arith.constant 632 : i32
    %mul3A_6 = arith.muli %arg1, %mul3A_5 : i32
    "tpu.region"() ({
      %run_scoped3A = tpu.sem_alloc : memref<!tpu.dma_semaphore, #tpu.memory_space<semaphore_mem>>
      %dma_start3A_34 = arith.constant 0 : i32
      %dma_start3A_35 = tpu.memref_slice %arg12[%mul3A_6, %dma_start3A_34] : memref<10112x64xf32, #tpu.memory_space<vmem_shared>> -> memref<632x64xf32, #tpu.memory_space<vmem_shared>>
      %dma_start3A_36 = arith.constant 0 : i32
      %dma_start3A_37 = tpu.memref_slice %arg5[%mul3A_4, %dma_start3A_36] : memref<10112x64xf32, #tpu.memory_space<hbm>> -> memref<632x64xf32, #tpu.memory_space<hbm>>
      tpu.enqueue_dma source(%dma_start3A_37 : memref<632x64xf32, #tpu.memory_space<hbm>>) target(%dma_start3A_35 : memref<632x64xf32, #tpu.memory_space<vmem_shared>>) target_semaphore(%run_scoped3A : memref<!tpu.dma_semaphore, #tpu.memory_space<semaphore_mem>>)
      %dma_wait3A = arith.constant 0 : i32
      %dma_wait3A_38 = tpu.memref_slice %arg12[%mul3A_6, %dma_wait3A] : memref<10112x64xf32, #tpu.memory_space<vmem_shared>> -> memref<632x64xf32, #tpu.memory_space<vmem_shared>>
      %dma_wait3A_39 = arith.constant 0 : i32
      %dma_wait3A_40 = tpu.memref_slice %arg5[%mul3A_4, %dma_wait3A_39] : memref<10112x64xf32, #tpu.memory_space<hbm>> -> memref<632x64xf32, #tpu.memory_space<hbm>>
      tpu.wait_dma2 semaphore(%run_scoped3A : memref<!tpu.dma_semaphore, #tpu.memory_space<semaphore_mem>>) src(%dma_wait3A_40 : memref<632x64xf32, #tpu.memory_space<hbm>>) dst(%dma_wait3A_38 : memref<632x64xf32, #tpu.memory_space<vmem_shared>>)
      tpu.yield
    }) : () -> ()
    %mul3A_7 = arith.constant 864 : i32
    %mul3A_8 = arith.muli %arg0, %mul3A_7 : i32
    %mul3A_9 = arith.constant 54 : i32
    %mul3A_10 = arith.muli %arg1, %mul3A_9 : i32
    %add3A = arith.addi %mul3A_8, %mul3A_10 : i32
    "tpu.region"() ({
      %run_scoped3A = tpu.sem_alloc : memref<!tpu.dma_semaphore, #tpu.memory_space<semaphore_mem>>
      %dma_start3A_34 = arith.constant 0 : i32
      %dma_start3A_35 = tpu.memref_slice %arg3[%add3A, %dma_start3A_34] : memref<1728x192xi32, #tpu.memory_space<hbm>> -> memref<54x192xi32, #tpu.memory_space<hbm>>
      %dma_start3A_36 = arith.constant 0 : i32
      %dma_start3A_37 = tpu.memref_slice %arg3[%add3A, %dma_start3A_36] : memref<1728x192xi32, #tpu.memory_space<hbm>> -> memref<54x192xi32, #tpu.memory_space<hbm>>
      tpu.enqueue_dma source(%dma_start3A_37 : memref<54x192xi32, #tpu.memory_space<hbm>>) target(%arg7 : memref<54x192xi32, #tpu.memory_space<vmem>>) target_semaphore(%run_scoped3A : memref<!tpu.dma_semaphore, #tpu.memory_space<semaphore_mem>>)
      %dma_wait3A = arith.constant 0 : i32
      %dma_wait3A_38 = tpu.memref_slice %arg3[%add3A, %dma_wait3A] : memref<1728x192xi32, #tpu.memory_space<hbm>> -> memref<54x192xi32, #tpu.memory_space<hbm>>
      %dma_wait3A_39 = arith.constant 0 : i32
      %dma_wait3A_40 = tpu.memref_slice %arg3[%add3A, %dma_wait3A_39] : memref<1728x192xi32, #tpu.memory_space<hbm>> -> memref<54x192xi32, #tpu.memory_space<hbm>>
      tpu.wait_dma2 semaphore(%run_scoped3A : memref<!tpu.dma_semaphore, #tpu.memory_space<semaphore_mem>>) src(%dma_wait3A_40 : memref<54x192xi32, #tpu.memory_space<hbm>>) dst(%arg7 : memref<54x192xi32, #tpu.memory_space<vmem>>)
      tpu.yield
    }) : () -> ()
    "tpu.region"() ({
      %run_scoped3A = tpu.sem_alloc : memref<!tpu.dma_semaphore, #tpu.memory_space<semaphore_mem>>
      %dma_start3A_34 = arith.constant 0 : i32
      %dma_start3A_35 = tpu.memref_slice %arg4[%add3A, %dma_start3A_34] : memref<1728x192xi32, #tpu.memory_space<hbm>> -> memref<54x192xi32, #tpu.memory_space<hbm>>
      %dma_start3A_36 = arith.constant 0 : i32
      %dma_start3A_37 = tpu.memref_slice %arg4[%add3A, %dma_start3A_36] : memref<1728x192xi32, #tpu.memory_space<hbm>> -> memref<54x192xi32, #tpu.memory_space<hbm>>
      tpu.enqueue_dma source(%dma_start3A_37 : memref<54x192xi32, #tpu.memory_space<hbm>>) target(%arg8 : memref<54x192xi32, #tpu.memory_space<vmem>>) target_semaphore(%run_scoped3A : memref<!tpu.dma_semaphore, #tpu.memory_space<semaphore_mem>>)
      %dma_wait3A = arith.constant 0 : i32
      %dma_wait3A_38 = tpu.memref_slice %arg4[%add3A, %dma_wait3A] : memref<1728x192xi32, #tpu.memory_space<hbm>> -> memref<54x192xi32, #tpu.memory_space<hbm>>
      %dma_wait3A_39 = arith.constant 0 : i32
      %dma_wait3A_40 = tpu.memref_slice %arg4[%add3A, %dma_wait3A_39] : memref<1728x192xi32, #tpu.memory_space<hbm>> -> memref<54x192xi32, #tpu.memory_space<hbm>>
      tpu.wait_dma2 semaphore(%run_scoped3A : memref<!tpu.dma_semaphore, #tpu.memory_space<semaphore_mem>>) src(%dma_wait3A_40 : memref<54x192xi32, #tpu.memory_space<hbm>>) dst(%arg8 : memref<54x192xi32, #tpu.memory_space<vmem>>)
      tpu.yield
    }) : () -> ()
    %barrier3A = arith.constant 0 : index
    tpu.barrier barrier_id(%barrier3A)
    %dma_start3A = arith.constant 0 : i32
    %dma_start3A_11 = arith.constant 0 : i32
    %dma_start3A_12 = tpu.memref_slice %arg7[%dma_start3A, %dma_start3A_11] : memref<54x192xi32, #tpu.memory_space<vmem>> -> memref<1x192xi32, #tpu.memory_space<vmem>>
    %dma_start3A_13 = tpu.memref_squeeze %dma_start3A_12 : memref<1x192xi32, #tpu.memory_space<vmem>> -> memref<192xi32, #tpu.memory_space<vmem>>
    %dma_start3A_14 = arith.constant 0 : i32
    %dma_start3A_15 = arith.constant 0 : i32
    %dma_start3A_16 = tpu.memref_slice %arg11[%dma_start3A_14, %dma_start3A_15] : memref<10000x64xf32, #tpu.memory_space<vmem_shared>> -> memref<10000x64xf32, #tpu.memory_space<vmem_shared>>
    tpu.enqueue_indirect_dma source(%dma_start3A_16 : memref<10000x64xf32, #tpu.memory_space<vmem_shared>>) target(%arg9 : memref<192x64xf32, #tpu.memory_space<vmem>>) offsets(%dma_start3A_13 : memref<192xi32, #tpu.memory_space<vmem>>) semaphore(%arg13 : memref<!tpu.dma_semaphore, #tpu.memory_space<semaphore_mem>>)
    %dma_start3A_17 = arith.constant 1 : i32
    %dma_start3A_18 = arith.constant 0 : i32
    %dma_start3A_19 = tpu.memref_slice %arg7[%dma_start3A_17, %dma_start3A_18] : memref<54x192xi32, #tpu.memory_space<vmem>> -> memref<1x192xi32, #tpu.memory_space<vmem>>
    %dma_start3A_20 = tpu.memref_squeeze %dma_start3A_19 : memref<1x192xi32, #tpu.memory_space<vmem>> -> memref<192xi32, #tpu.memory_space<vmem>>
    %dma_start3A_21 = arith.constant 0 : i32
    %dma_start3A_22 = arith.constant 0 : i32
    %dma_start3A_23 = tpu.memref_slice %arg11[%dma_start3A_21, %dma_start3A_22] : memref<10000x64xf32, #tpu.memory_space<vmem_shared>> -> memref<10000x64xf32, #tpu.memory_space<vmem_shared>>
    tpu.enqueue_indirect_dma source(%dma_start3A_23 : memref<10000x64xf32, #tpu.memory_space<vmem_shared>>) target(%arg10 : memref<192x64xf32, #tpu.memory_space<vmem>>) offsets(%dma_start3A_20 : memref<192xi32, #tpu.memory_space<vmem>>) semaphore(%arg13 : memref<!tpu.dma_semaphore, #tpu.memory_space<semaphore_mem>>)
    %scan3A = arith.constant 0 : i32
    %scan3A_24 = arith.constant 0 : i32
    %scan3A_25 = arith.constant 27 : i32
    %scan3A_26 = arith.addi %scan3A_24, %scan3A_25 : i32
    %scan3A_27 = arith.constant 1 : i32
    scf.for %scan3A_34 = %scan3A_24 to %scan3A_26 step %scan3A_27  : i32 {
      %mul3A_35 = arith.constant 2 : i32
      %mul3A_36 = arith.muli %mul3A_35, %scan3A_34 : i32
      %mul3A_37 = arith.constant 2 : i32
      %mul3A_38 = arith.muli %mul3A_37, %scan3A_34 : i32
      %add3A_39 = arith.constant 1 : i32
      %add3A_40 = arith.addi %mul3A_38, %add3A_39 : i32
      %dma_wait3A = arith.constant 0 : i32
      %dma_wait3A_41 = arith.constant 0 : i32
      %dma_wait3A_42 = tpu.memref_slice %arg7[%dma_wait3A, %dma_wait3A_41] : memref<54x192xi32, #tpu.memory_space<vmem>> -> memref<1x192xi32, #tpu.memory_space<vmem>>
      %dma_wait3A_43 = tpu.memref_squeeze %dma_wait3A_42 : memref<1x192xi32, #tpu.memory_space<vmem>> -> memref<192xi32, #tpu.memory_space<vmem>>
      %dma_wait3A_44 = arith.constant 0 : i32
      %dma_wait3A_45 = arith.constant 0 : i32
      %dma_wait3A_46 = tpu.memref_slice %arg11[%dma_wait3A_44, %dma_wait3A_45] : memref<10000x64xf32, #tpu.memory_space<vmem_shared>> -> memref<10000x64xf32, #tpu.memory_space<vmem_shared>>
      tpu.wait_indirect_dma semaphore(%arg13 : memref<!tpu.dma_semaphore, #tpu.memory_space<semaphore_mem>>) src(%dma_wait3A_46 : memref<10000x64xf32, #tpu.memory_space<vmem_shared>>) dst(%arg9 : memref<192x64xf32, #tpu.memory_space<vmem>>)
      %dma_start3A_47 = arith.constant 0 : i32
      %dma_start3A_48 = tpu.memref_slice %arg8[%mul3A_36, %dma_start3A_47] : memref<54x192xi32, #tpu.memory_space<vmem>> -> memref<1x192xi32, #tpu.memory_space<vmem>>
      %dma_start3A_49 = tpu.memref_squeeze %dma_start3A_48 : memref<1x192xi32, #tpu.memory_space<vmem>> -> memref<192xi32, #tpu.memory_space<vmem>>
      %dma_start3A_50 = arith.constant 0 : i32
      %dma_start3A_51 = arith.constant 0 : i32
      %dma_start3A_52 = tpu.memref_slice %arg12[%dma_start3A_50, %dma_start3A_51] : memref<10112x64xf32, #tpu.memory_space<vmem_shared>> -> memref<10112x64xf32, #tpu.memory_space<vmem_shared>>
      tpu.enqueue_indirect_dma source(%arg9 : memref<192x64xf32, #tpu.memory_space<vmem>>) target(%dma_start3A_52 : memref<10112x64xf32, #tpu.memory_space<vmem_shared>>) offsets(%dma_start3A_49 : memref<192xi32, #tpu.memory_space<vmem>>) semaphore(%arg14 : memref<!tpu.dma_semaphore, #tpu.memory_space<semaphore_mem>>) {add = true}
      %dma_wait3A_53 = arith.constant 0 : i32
      %dma_wait3A_54 = arith.constant 0 : i32
      %dma_wait3A_55 = tpu.memref_slice %arg7[%dma_wait3A_53, %dma_wait3A_54] : memref<54x192xi32, #tpu.memory_space<vmem>> -> memref<1x192xi32, #tpu.memory_space<vmem>>
      %dma_wait3A_56 = tpu.memref_squeeze %dma_wait3A_55 : memref<1x192xi32, #tpu.memory_space<vmem>> -> memref<192xi32, #tpu.memory_space<vmem>>
      %dma_wait3A_57 = arith.constant 0 : i32
      %dma_wait3A_58 = arith.constant 0 : i32
      %dma_wait3A_59 = tpu.memref_slice %arg11[%dma_wait3A_57, %dma_wait3A_58] : memref<10000x64xf32, #tpu.memory_space<vmem_shared>> -> memref<10000x64xf32, #tpu.memory_space<vmem_shared>>
      tpu.wait_indirect_dma semaphore(%arg13 : memref<!tpu.dma_semaphore, #tpu.memory_space<semaphore_mem>>) src(%dma_wait3A_59 : memref<10000x64xf32, #tpu.memory_space<vmem_shared>>) dst(%arg10 : memref<192x64xf32, #tpu.memory_space<vmem>>)
      %dma_start3A_60 = arith.constant 0 : i32
      %dma_start3A_61 = tpu.memref_slice %arg8[%add3A_40, %dma_start3A_60] : memref<54x192xi32, #tpu.memory_space<vmem>> -> memref<1x192xi32, #tpu.memory_space<vmem>>
      %dma_start3A_62 = tpu.memref_squeeze %dma_start3A_61 : memref<1x192xi32, #tpu.memory_space<vmem>> -> memref<192xi32, #tpu.memory_space<vmem>>
      %dma_start3A_63 = arith.constant 0 : i32
      %dma_start3A_64 = arith.constant 0 : i32
      %dma_start3A_65 = tpu.memref_slice %arg12[%dma_start3A_63, %dma_start3A_64] : memref<10112x64xf32, #tpu.memory_space<vmem_shared>> -> memref<10112x64xf32, #tpu.memory_space<vmem_shared>>
      tpu.enqueue_indirect_dma source(%arg10 : memref<192x64xf32, #tpu.memory_space<vmem>>) target(%dma_start3A_65 : memref<10112x64xf32, #tpu.memory_space<vmem_shared>>) offsets(%dma_start3A_62 : memref<192xi32, #tpu.memory_space<vmem>>) semaphore(%arg14 : memref<!tpu.dma_semaphore, #tpu.memory_space<semaphore_mem>>) {add = true}
      %dma_wait3A_66 = arith.constant 0 : i32
      %dma_wait3A_67 = arith.constant 0 : i32
      %dma_wait3A_68 = tpu.memref_slice %arg8[%dma_wait3A_66, %dma_wait3A_67] : memref<54x192xi32, #tpu.memory_space<vmem>> -> memref<1x192xi32, #tpu.memory_space<vmem>>
      %dma_wait3A_69 = tpu.memref_squeeze %dma_wait3A_68 : memref<1x192xi32, #tpu.memory_space<vmem>> -> memref<192xi32, #tpu.memory_space<vmem>>
      %dma_wait3A_70 = arith.constant 0 : i32
      %dma_wait3A_71 = arith.constant 0 : i32
      %dma_wait3A_72 = tpu.memref_slice %arg12[%dma_wait3A_70, %dma_wait3A_71] : memref<10112x64xf32, #tpu.memory_space<vmem_shared>> -> memref<10112x64xf32, #tpu.memory_space<vmem_shared>>
      tpu.wait_indirect_dma semaphore(%arg14 : memref<!tpu.dma_semaphore, #tpu.memory_space<semaphore_mem>>) src(%arg9 : memref<192x64xf32, #tpu.memory_space<vmem>>) dst(%dma_wait3A_72 : memref<10112x64xf32, #tpu.memory_space<vmem_shared>>)
      %add3A_73 = arith.constant 2 : i32
      %add3A_74 = arith.addi %mul3A_36, %add3A_73 : i32
      %lt3A = arith.constant 54 : i32
      %lt3A_75 = arith.cmpi slt, %add3A_74, %lt3A : i32
      %convert_element_type3A = arith.extui %lt3A_75 : i1 to i32
      %cond3A = arith.constant 0 : i32
      %cond3A_76 = arith.cmpi ne, %convert_element_type3A, %cond3A : i32
      scf.if %cond3A_76 {
        %add3A_91 = arith.constant 2 : i32
        %add3A_92 = arith.addi %mul3A_36, %add3A_91 : i32
        %dma_start3A_93 = arith.constant 0 : i32
        %dma_start3A_94 = tpu.memref_slice %arg7[%add3A_92, %dma_start3A_93] : memref<54x192xi32, #tpu.memory_space<vmem>> -> memref<1x192xi32, #tpu.memory_space<vmem>>
        %dma_start3A_95 = tpu.memref_squeeze %dma_start3A_94 : memref<1x192xi32, #tpu.memory_space<vmem>> -> memref<192xi32, #tpu.memory_space<vmem>>
        %dma_start3A_96 = arith.constant 0 : i32
        %dma_start3A_97 = arith.constant 0 : i32
        %dma_start3A_98 = tpu.memref_slice %arg11[%dma_start3A_96, %dma_start3A_97] : memref<10000x64xf32, #tpu.memory_space<vmem_shared>> -> memref<10000x64xf32, #tpu.memory_space<vmem_shared>>
        tpu.enqueue_indirect_dma source(%dma_start3A_98 : memref<10000x64xf32, #tpu.memory_space<vmem_shared>>) target(%arg9 : memref<192x64xf32, #tpu.memory_space<vmem>>) offsets(%dma_start3A_95 : memref<192xi32, #tpu.memory_space<vmem>>) semaphore(%arg13 : memref<!tpu.dma_semaphore, #tpu.memory_space<semaphore_mem>>)
      } else {
      }
      %dma_wait3A_77 = arith.constant 0 : i32
      %dma_wait3A_78 = arith.constant 0 : i32
      %dma_wait3A_79 = tpu.memref_slice %arg8[%dma_wait3A_77, %dma_wait3A_78] : memref<54x192xi32, #tpu.memory_space<vmem>> -> memref<1x192xi32, #tpu.memory_space<vmem>>
      %dma_wait3A_80 = tpu.memref_squeeze %dma_wait3A_79 : memref<1x192xi32, #tpu.memory_space<vmem>> -> memref<192xi32, #tpu.memory_space<vmem>>
      %dma_wait3A_81 = arith.constant 0 : i32
      %dma_wait3A_82 = arith.constant 0 : i32
      %dma_wait3A_83 = tpu.memref_slice %arg12[%dma_wait3A_81, %dma_wait3A_82] : memref<10112x64xf32, #tpu.memory_space<vmem_shared>> -> memref<10112x64xf32, #tpu.memory_space<vmem_shared>>
      tpu.wait_indirect_dma semaphore(%arg14 : memref<!tpu.dma_semaphore, #tpu.memory_space<semaphore_mem>>) src(%arg10 : memref<192x64xf32, #tpu.memory_space<vmem>>) dst(%dma_wait3A_83 : memref<10112x64xf32, #tpu.memory_space<vmem_shared>>)
      %add3A_84 = arith.constant 2 : i32
      %add3A_85 = arith.addi %add3A_40, %add3A_84 : i32
      %lt3A_86 = arith.constant 54 : i32
      %lt3A_87 = arith.cmpi slt, %add3A_85, %lt3A_86 : i32
      %convert_element_type3A_88 = arith.extui %lt3A_87 : i1 to i32
      %cond3A_89 = arith.constant 0 : i32
      %cond3A_90 = arith.cmpi ne, %convert_element_type3A_88, %cond3A_89 : i32
      scf.if %cond3A_90 {
        %add3A_91 = arith.constant 2 : i32
        %add3A_92 = arith.addi %add3A_40, %add3A_91 : i32
        %dma_start3A_93 = arith.constant 0 : i32
        %dma_start3A_94 = tpu.memref_slice %arg7[%add3A_92, %dma_start3A_93] : memref<54x192xi32, #tpu.memory_space<vmem>> -> memref<1x192xi32, #tpu.memory_space<vmem>>
        %dma_start3A_95 = tpu.memref_squeeze %dma_start3A_94 : memref<1x192xi32, #tpu.memory_space<vmem>> -> memref<192xi32, #tpu.memory_space<vmem>>
        %dma_start3A_96 = arith.constant 0 : i32
        %dma_start3A_97 = arith.constant 0 : i32
        %dma_start3A_98 = tpu.memref_slice %arg11[%dma_start3A_96, %dma_start3A_97] : memref<10000x64xf32, #tpu.memory_space<vmem_shared>> -> memref<10000x64xf32, #tpu.memory_space<vmem_shared>>
        tpu.enqueue_indirect_dma source(%dma_start3A_98 : memref<10000x64xf32, #tpu.memory_space<vmem_shared>>) target(%arg10 : memref<192x64xf32, #tpu.memory_space<vmem>>) offsets(%dma_start3A_95 : memref<192xi32, #tpu.memory_space<vmem>>) semaphore(%arg13 : memref<!tpu.dma_semaphore, #tpu.memory_space<semaphore_mem>>)
      } else {
      }
    }
    %scan3A_28 = arith.constant 27 : i32
    %barrier3A_29 = arith.constant 0 : index
    tpu.barrier barrier_id(%barrier3A_29)
    %mul3A_30 = arith.constant 632 : i32
    %mul3A_31 = arith.muli %arg1, %mul3A_30 : i32
    %mul3A_32 = arith.constant 632 : i32
    %mul3A_33 = arith.muli %arg1, %mul3A_32 : i32
    "tpu.region"() ({
      %run_scoped3A = tpu.sem_alloc : memref<!tpu.dma_semaphore, #tpu.memory_space<semaphore_mem>>
      %dma_start3A_34 = arith.constant 0 : i32
      %dma_start3A_35 = tpu.memref_slice %arg6[%arg0, %mul3A_33, %dma_start3A_34] : memref<2x10112x64xf32, #tpu.memory_space<hbm>> -> memref<1x632x64xf32, #tpu.memory_space<hbm>>
      %dma_start3A_36 = tpu.memref_squeeze %dma_start3A_35 : memref<1x632x64xf32, #tpu.memory_space<hbm>> -> memref<632x64xf32, #tpu.memory_space<hbm>>
      %dma_start3A_37 = arith.constant 0 : i32
      %dma_start3A_38 = tpu.memref_slice %arg12[%mul3A_31, %dma_start3A_37] : memref<10112x64xf32, #tpu.memory_space<vmem_shared>> -> memref<632x64xf32, #tpu.memory_space<vmem_shared>>
      tpu.enqueue_dma source(%dma_start3A_38 : memref<632x64xf32, #tpu.memory_space<vmem_shared>>) target(%dma_start3A_36 : memref<632x64xf32, #tpu.memory_space<hbm>>) target_semaphore(%run_scoped3A : memref<!tpu.dma_semaphore, #tpu.memory_space<semaphore_mem>>)
      %dma_wait3A = arith.constant 0 : i32
      %dma_wait3A_39 = tpu.memref_slice %arg6[%arg0, %mul3A_33, %dma_wait3A] : memref<2x10112x64xf32, #tpu.memory_space<hbm>> -> memref<1x632x64xf32, #tpu.memory_space<hbm>>
      %dma_wait3A_40 = tpu.memref_squeeze %dma_wait3A_39 : memref<1x632x64xf32, #tpu.memory_space<hbm>> -> memref<632x64xf32, #tpu.memory_space<hbm>>
      %dma_wait3A_41 = arith.constant 0 : i32
      %dma_wait3A_42 = tpu.memref_slice %arg12[%mul3A_31, %dma_wait3A_41] : memref<10112x64xf32, #tpu.memory_space<vmem_shared>> -> memref<632x64xf32, #tpu.memory_space<vmem_shared>>
      tpu.wait_dma2 semaphore(%run_scoped3A : memref<!tpu.dma_semaphore, #tpu.memory_space<semaphore_mem>>) src(%dma_wait3A_42 : memref<632x64xf32, #tpu.memory_space<vmem_shared>>) dst(%dma_wait3A_40 : memref<632x64xf32, #tpu.memory_space<hbm>>)
      tpu.yield
    }) : () -> ()
    return
  }
}

module attributes {stable_mosaic.version = 14 : i64} {
  func.func @_mm_pre(%arg0: i32, %arg1: memref<1000x128xf32, #tpu.memory_space<vmem>>, %arg2: memref<128x64xf32, #tpu.memory_space<vmem>>, %arg3: memref<128x64xf32, #tpu.memory_space<vmem>>, %arg4: memref<1000x64xf32, #tpu.memory_space<vmem>>, %arg5: memref<1000x64xf32, #tpu.memory_space<vmem>>) attributes {dimension_semantics = [#tpu.dimension_semantics<arbitrary>], iteration_bounds = array<i64: 10>, scalar_prefetch = 0 : i64, scratch_operands = 0 : i64, tpu.core_type = #tpu.core_type<tc>, window_params = [{transform_indices = @transform_0, window_bounds = array<i64: 1000, 128>}, {pipeline_mode = #tpu.pipeline_mode<synchronous>, transform_indices = @transform_1, window_bounds = array<i64: 128, 64>}, {pipeline_mode = #tpu.pipeline_mode<synchronous>, transform_indices = @transform_2, window_bounds = array<i64: 128, 64>}, {transform_indices = @transform_3, window_bounds = array<i64: 1000, 64>}, {transform_indices = @transform_4, window_bounds = array<i64: 1000, 64>}]} {
    %get3A = arith.constant 0 : index
    %get3A_0 = arith.constant 0 : index
    %get3A_1 = vector.load %arg1[%get3A, %get3A_0] : memref<1000x128xf32, #tpu.memory_space<vmem>>, vector<1000x128xf32>
    %get3A_2 = arith.constant 0 : index
    %get3A_3 = arith.constant 0 : index
    %get3A_4 = vector.load %arg2[%get3A_2, %get3A_3] : memref<128x64xf32, #tpu.memory_space<vmem>>, vector<128x64xf32>
    %dot_general3A = arith.constant dense<0.000000e+00> : vector<1000x64xf32>
    %dot_general3A_5 = tpu.matmul %get3A_1, %get3A_4, %dot_general3A {dimension_numbers = #tpu.dot_dimension_numbers<[1], [0], [0], [1], [0, 0, 1, 1], [], []>, transpose_lhs_hint = false} : vector<1000x128xf32>, vector<128x64xf32>, vector<1000x64xf32> -> vector<1000x64xf32>
    %swap3A = arith.constant 0 : index
    %swap3A_6 = arith.constant 0 : index
    %swap3A_7 = vector.load %arg4[%swap3A, %swap3A_6] : memref<1000x64xf32, #tpu.memory_space<vmem>>, vector<1000x64xf32>
    tpu.vector_store %arg4[%swap3A, %swap3A_6], %dot_general3A_5 {strides = array<i32>} : memref<1000x64xf32, #tpu.memory_space<vmem>>, vector<1000x64xf32>,
    %get3A_8 = arith.constant 0 : index
    %get3A_9 = arith.constant 0 : index
    %get3A_10 = vector.load %arg3[%get3A_8, %get3A_9] : memref<128x64xf32, #tpu.memory_space<vmem>>, vector<128x64xf32>
    %dot_general3A_11 = arith.constant dense<0.000000e+00> : vector<1000x64xf32>
    %dot_general3A_12 = tpu.matmul %get3A_1, %get3A_10, %dot_general3A_11 {dimension_numbers = #tpu.dot_dimension_numbers<[1], [0], [0], [1], [0, 0, 1, 1], [], []>, transpose_lhs_hint = false} : vector<1000x128xf32>, vector<128x64xf32>, vector<1000x64xf32> -> vector<1000x64xf32>
    %swap3A_13 = arith.constant 0 : index
    %swap3A_14 = arith.constant 0 : index
    %swap3A_15 = vector.load %arg5[%swap3A_13, %swap3A_14] : memref<1000x64xf32, #tpu.memory_space<vmem>>, vector<1000x64xf32>
    tpu.vector_store %arg5[%swap3A_13, %swap3A_14], %dot_general3A_12 {strides = array<i32>} : memref<1000x64xf32, #tpu.memory_space<vmem>>, vector<1000x64xf32>,
    return
  }
  func.func @transform_0(%arg0: i32) -> (i32, i32) {
    %c0_i32 = arith.constant 0 : i32
    %c0_i32_0 = arith.constant 0 : i32
    return %arg0, %c0_i32 : i32, i32
  }
  func.func @transform_1(%arg0: i32) -> (i32, i32) {
    %c0_i32 = arith.constant 0 : i32
    %c0_i32_0 = arith.constant 0 : i32
    %c0_i32_1 = arith.constant 0 : i32
    return %c0_i32, %c0_i32_0 : i32, i32
  }
  func.func @transform_2(%arg0: i32) -> (i32, i32) {
    %c0_i32 = arith.constant 0 : i32
    %c0_i32_0 = arith.constant 0 : i32
    %c0_i32_1 = arith.constant 0 : i32
    return %c0_i32, %c0_i32_0 : i32, i32
  }
  func.func @transform_3(%arg0: i32) -> (i32, i32) {
    %c0_i32 = arith.constant 0 : i32
    %c0_i32_0 = arith.constant 0 : i32
    return %arg0, %c0_i32 : i32, i32
  }
  func.func @transform_4(%arg0: i32) -> (i32, i32) {
    %c0_i32 = arith.constant 0 : i32
    %c0_i32_0 = arith.constant 0 : i32
    return %arg0, %c0_i32 : i32, i32
  }
}

module attributes {stable_mosaic.version = 14 : i64} {
  func.func @_mm_mid(%arg0: i32, %arg1: memref<2x1000x64xf32, #tpu.memory_space<vmem>>, %arg2: memref<1x1x1000xf32, #tpu.memory_space<vmem>>, %arg3: memref<1x1x1000xf32, #tpu.memory_space<vmem>>, %arg4: memref<1000x64xf32, #tpu.memory_space<vmem>>, %arg5: memref<1x64xf32, #tpu.memory_space<vmem>>, %arg6: memref<64x64xf32, #tpu.memory_space<vmem>>, %arg7: memref<64x64xf32, #tpu.memory_space<vmem>>, %arg8: memref<1000x64xf32, #tpu.memory_space<vmem>>, %arg9: memref<1000x64xf32, #tpu.memory_space<vmem>>) attributes {dimension_semantics = [#tpu.dimension_semantics<arbitrary>], iteration_bounds = array<i64: 10>, scalar_prefetch = 0 : i64, scratch_operands = 0 : i64, tpu.core_type = #tpu.core_type<tc>, window_params = [{transform_indices = @transform_0, window_bounds = array<i64: 2, 1000, 64>}, {transform_indices = @transform_1, window_bounds = array<i64: 1, 1, 1000>}, {transform_indices = @transform_2, window_bounds = array<i64: 1, 1, 1000>}, {transform_indices = @transform_3, window_bounds = array<i64: 1000, 64>}, {pipeline_mode = #tpu.pipeline_mode<synchronous>, transform_indices = @transform_4, window_bounds = array<i64: 1, 64>}, {pipeline_mode = #tpu.pipeline_mode<synchronous>, transform_indices = @transform_5, window_bounds = array<i64: 64, 64>}, {pipeline_mode = #tpu.pipeline_mode<synchronous>, transform_indices = @transform_6, window_bounds = array<i64: 64, 64>}, {transform_indices = @transform_7, window_bounds = array<i64: 1000, 64>}, {transform_indices = @transform_8, window_bounds = array<i64: 1000, 64>}]} {
    %get3A = arith.constant 0 : index
    %get3A_0 = arith.constant 0 : index
    %get3A_1 = arith.constant 0 : index
    %get3A_2 = vector.load %arg1[%get3A, %get3A_0, %get3A_1] : memref<2x1000x64xf32, #tpu.memory_space<vmem>>, vector<1x1000x64xf32>
    %get3A_3 = vector.shape_cast %get3A_2 : vector<1x1000x64xf32> to vector<1000x64xf32>
    %get3A_4 = arith.constant 1 : index
    %get3A_5 = arith.constant 0 : index
    %get3A_6 = arith.constant 0 : index
    %get3A_7 = vector.load %arg1[%get3A_4, %get3A_5, %get3A_6] : memref<2x1000x64xf32, #tpu.memory_space<vmem>>, vector<1x1000x64xf32>
    %get3A_8 = vector.shape_cast %get3A_7 : vector<1x1000x64xf32> to vector<1000x64xf32>
    %add3A = arith.addf %get3A_3, %get3A_8 : vector<1000x64xf32>
    %get3A_9 = arith.constant 0 : index
    %get3A_10 = arith.constant 0 : index
    %get3A_11 = arith.constant 0 : index
    %get3A_12 = vector.load %arg2[%get3A_9, %get3A_10, %get3A_11] : memref<1x1x1000xf32, #tpu.memory_space<vmem>>, vector<1x1x1000xf32>
    %get3A_13 = vector.shape_cast %get3A_12 : vector<1x1x1000xf32> to vector<1000xf32>
    %get3A_14 = arith.constant 0 : index
    %get3A_15 = arith.constant 0 : index
    %get3A_16 = arith.constant 0 : index
    %get3A_17 = vector.load %arg3[%get3A_14, %get3A_15, %get3A_16] : memref<1x1x1000xf32, #tpu.memory_space<vmem>>, vector<1x1x1000xf32>
    %get3A_18 = vector.shape_cast %get3A_17 : vector<1x1x1000xf32> to vector<1000xf32>
    %add3A_19 = arith.addf %get3A_13, %get3A_18 : vector<1000xf32>
    %max3A = arith.constant 1.000000e+00 : f32
    %max3A_20 = vector.broadcast %max3A : f32 to vector<1000xf32>
    %max3A_21 = arith.maximumf %add3A_19, %max3A_20 : vector<1000xf32>
    %div3A = arith.constant 1.000000e+00 : f32
    %div3A_22 = vector.broadcast %div3A : f32 to vector<1000xf32>
    %div3A_23 = arith.divf %div3A_22, %max3A_21 : vector<1000xf32>
    %broadcast_in_dim3A = vector.shape_cast %div3A_23 : vector<1000xf32> to vector<1000x1xf32>
    %mul3A = vector.broadcast %broadcast_in_dim3A : vector<1000x1xf32> to vector<1000x64xf32>
    %mul3A_24 = arith.mulf %add3A, %mul3A : vector<1000x64xf32>
    %get3A_25 = arith.constant 0 : index
    %get3A_26 = arith.constant 0 : index
    %get3A_27 = vector.load %arg5[%get3A_25, %get3A_26] : memref<1x64xf32, #tpu.memory_space<vmem>>, vector<1x64xf32>
    %add3A_28 = vector.broadcast %get3A_27 : vector<1x64xf32> to vector<1000x64xf32>
    %add3A_29 = arith.addf %mul3A_24, %add3A_28 : vector<1000x64xf32>
    %get3A_30 = arith.constant 0 : index
    %get3A_31 = arith.constant 0 : index
    %get3A_32 = vector.load %arg4[%get3A_30, %get3A_31] : memref<1000x64xf32, #tpu.memory_space<vmem>>, vector<1000x64xf32>
    %add3A_33 = arith.addf %add3A_29, %get3A_32 : vector<1000x64xf32>
    %max3A_34 = arith.constant 0.000000e+00 : f32
    %max3A_35 = vector.broadcast %max3A_34 : f32 to vector<1000x64xf32>
    %max3A_36 = arith.maximumf %add3A_33, %max3A_35 : vector<1000x64xf32>
    %get3A_37 = arith.constant 0 : index
    %get3A_38 = arith.constant 0 : index
    %get3A_39 = vector.load %arg6[%get3A_37, %get3A_38] : memref<64x64xf32, #tpu.memory_space<vmem>>, vector<64x64xf32>
    %dot_general3A = arith.constant dense<0.000000e+00> : vector<1000x64xf32>
    %dot_general3A_40 = tpu.matmul %max3A_36, %get3A_39, %dot_general3A {dimension_numbers = #tpu.dot_dimension_numbers<[1], [0], [0], [1], [0, 0, 1, 1], [], []>, transpose_lhs_hint = false} : vector<1000x64xf32>, vector<64x64xf32>, vector<1000x64xf32> -> vector<1000x64xf32>
    %swap3A = arith.constant 0 : index
    %swap3A_41 = arith.constant 0 : index
    %swap3A_42 = vector.load %arg8[%swap3A, %swap3A_41] : memref<1000x64xf32, #tpu.memory_space<vmem>>, vector<1000x64xf32>
    tpu.vector_store %arg8[%swap3A, %swap3A_41], %dot_general3A_40 {strides = array<i32>} : memref<1000x64xf32, #tpu.memory_space<vmem>>, vector<1000x64xf32>,
    %get3A_43 = arith.constant 0 : index
    %get3A_44 = arith.constant 0 : index
    %get3A_45 = vector.load %arg7[%get3A_43, %get3A_44] : memref<64x64xf32, #tpu.memory_space<vmem>>, vector<64x64xf32>
    %dot_general3A_46 = arith.constant dense<0.000000e+00> : vector<1000x64xf32>
    %dot_general3A_47 = tpu.matmul %max3A_36, %get3A_45, %dot_general3A_46 {dimension_numbers = #tpu.dot_dimension_numbers<[1], [0], [0], [1], [0, 0, 1, 1], [], []>, transpose_lhs_hint = false} : vector<1000x64xf32>, vector<64x64xf32>, vector<1000x64xf32> -> vector<1000x64xf32>
    %swap3A_48 = arith.constant 0 : index
    %swap3A_49 = arith.constant 0 : index
    %swap3A_50 = vector.load %arg9[%swap3A_48, %swap3A_49] : memref<1000x64xf32, #tpu.memory_space<vmem>>, vector<1000x64xf32>
    tpu.vector_store %arg9[%swap3A_48, %swap3A_49], %dot_general3A_47 {strides = array<i32>} : memref<1000x64xf32, #tpu.memory_space<vmem>>, vector<1000x64xf32>,
    return
  }
  func.func @transform_0(%arg0: i32) -> (i32, i32, i32) {
    %c0_i32 = arith.constant 0 : i32
    %c0_i32_0 = arith.constant 0 : i32
    %c0_i32_1 = arith.constant 0 : i32
    return %c0_i32, %arg0, %c0_i32_0 : i32, i32, i32
  }
  func.func @transform_1(%arg0: i32) -> (i32, i32, i32) {
    %c0_i32 = arith.constant 0 : i32
    %c0_i32_0 = arith.constant 0 : i32
    %c0_i32_1 = arith.constant 0 : i32
    return %arg0, %c0_i32, %c0_i32_0 : i32, i32, i32
  }
  func.func @transform_2(%arg0: i32) -> (i32, i32, i32) {
    %c0_i32 = arith.constant 0 : i32
    %c0_i32_0 = arith.constant 0 : i32
    %c0_i32_1 = arith.constant 0 : i32
    return %arg0, %c0_i32, %c0_i32_0 : i32, i32, i32
  }
  func.func @transform_3(%arg0: i32) -> (i32, i32) {
    %c0_i32 = arith.constant 0 : i32
    %c0_i32_0 = arith.constant 0 : i32
    return %arg0, %c0_i32 : i32, i32
  }
  func.func @transform_4(%arg0: i32) -> (i32, i32) {
    %c0_i32 = arith.constant 0 : i32
    %c0_i32_0 = arith.constant 0 : i32
    %c0_i32_1 = arith.constant 0 : i32
    return %c0_i32, %c0_i32_0 : i32, i32
  }
  func.func @transform_5(%arg0: i32) -> (i32, i32) {
    %c0_i32 = arith.constant 0 : i32
    %c0_i32_0 = arith.constant 0 : i32
    %c0_i32_1 = arith.constant 0 : i32
    return %c0_i32, %c0_i32_0 : i32, i32
  }
  func.func @transform_6(%arg0: i32) -> (i32, i32) {
    %c0_i32 = arith.constant 0 : i32
    %c0_i32_0 = arith.constant 0 : i32
    %c0_i32_1 = arith.constant 0 : i32
    return %c0_i32, %c0_i32_0 : i32, i32
  }
  func.func @transform_7(%arg0: i32) -> (i32, i32) {
    %c0_i32 = arith.constant 0 : i32
    %c0_i32_0 = arith.constant 0 : i32
    return %arg0, %c0_i32 : i32, i32
  }
  func.func @transform_8(%arg0: i32) -> (i32, i32) {
    %c0_i32 = arith.constant 0 : i32
    %c0_i32_0 = arith.constant 0 : i32
    return %arg0, %c0_i32 : i32, i32
  }
}

module attributes {stable_mosaic.version = 14 : i64} {
  func.func @_mm_fin(%arg0: i32, %arg1: memref<2x1000x64xf32, #tpu.memory_space<vmem>>, %arg2: memref<1x1x1000xf32, #tpu.memory_space<vmem>>, %arg3: memref<1x1x1000xf32, #tpu.memory_space<vmem>>, %arg4: memref<1000x64xf32, #tpu.memory_space<vmem>>, %arg5: memref<1x64xf32, #tpu.memory_space<vmem>>, %arg6: memref<1x1x1000xi32, #tpu.memory_space<vmem>>, %arg7: memref<8x64xf32, #tpu.memory_space<vmem>>, %arg8: memref<8x128xf32, #tpu.memory_space<vmem>>) attributes {dimension_semantics = [#tpu.dimension_semantics<arbitrary>], iteration_bounds = array<i64: 10>, scalar_prefetch = 0 : i64, scratch_operands = 1 : i64, tpu.core_type = #tpu.core_type<tc>, window_params = [{transform_indices = @transform_0, window_bounds = array<i64: 2, 1000, 64>}, {transform_indices = @transform_1, window_bounds = array<i64: 1, 1, 1000>}, {transform_indices = @transform_2, window_bounds = array<i64: 1, 1, 1000>}, {transform_indices = @transform_3, window_bounds = array<i64: 1000, 64>}, {pipeline_mode = #tpu.pipeline_mode<synchronous>, transform_indices = @transform_4, window_bounds = array<i64: 1, 64>}, {transform_indices = @transform_5, window_bounds = array<i64: 1, 1, 1000>}, {pipeline_mode = #tpu.pipeline_mode<synchronous>, transform_indices = @transform_6, window_bounds = array<i64: 8, 64>}]} {
    %get3A = arith.constant 0 : index
    %get3A_0 = arith.constant 0 : index
    %get3A_1 = arith.constant 0 : index
    %get3A_2 = vector.load %arg1[%get3A, %get3A_0, %get3A_1] : memref<2x1000x64xf32, #tpu.memory_space<vmem>>, vector<1x1000x64xf32>
    %get3A_3 = vector.shape_cast %get3A_2 : vector<1x1000x64xf32> to vector<1000x64xf32>
    %get3A_4 = arith.constant 1 : index
    %get3A_5 = arith.constant 0 : index
    %get3A_6 = arith.constant 0 : index
    %get3A_7 = vector.load %arg1[%get3A_4, %get3A_5, %get3A_6] : memref<2x1000x64xf32, #tpu.memory_space<vmem>>, vector<1x1000x64xf32>
    %get3A_8 = vector.shape_cast %get3A_7 : vector<1x1000x64xf32> to vector<1000x64xf32>
    %add3A = arith.addf %get3A_3, %get3A_8 : vector<1000x64xf32>
    %get3A_9 = arith.constant 0 : index
    %get3A_10 = arith.constant 0 : index
    %get3A_11 = arith.constant 0 : index
    %get3A_12 = vector.load %arg2[%get3A_9, %get3A_10, %get3A_11] : memref<1x1x1000xf32, #tpu.memory_space<vmem>>, vector<1x1x1000xf32>
    %get3A_13 = vector.shape_cast %get3A_12 : vector<1x1x1000xf32> to vector<1000xf32>
    %get3A_14 = arith.constant 0 : index
    %get3A_15 = arith.constant 0 : index
    %get3A_16 = arith.constant 0 : index
    %get3A_17 = vector.load %arg3[%get3A_14, %get3A_15, %get3A_16] : memref<1x1x1000xf32, #tpu.memory_space<vmem>>, vector<1x1x1000xf32>
    %get3A_18 = vector.shape_cast %get3A_17 : vector<1x1x1000xf32> to vector<1000xf32>
    %add3A_19 = arith.addf %get3A_13, %get3A_18 : vector<1000xf32>
    %max3A = arith.constant 1.000000e+00 : f32
    %max3A_20 = vector.broadcast %max3A : f32 to vector<1000xf32>
    %max3A_21 = arith.maximumf %add3A_19, %max3A_20 : vector<1000xf32>
    %div3A = arith.constant 1.000000e+00 : f32
    %div3A_22 = vector.broadcast %div3A : f32 to vector<1000xf32>
    %div3A_23 = arith.divf %div3A_22, %max3A_21 : vector<1000xf32>
    %broadcast_in_dim3A = vector.shape_cast %div3A_23 : vector<1000xf32> to vector<1000x1xf32>
    %mul3A = vector.broadcast %broadcast_in_dim3A : vector<1000x1xf32> to vector<1000x64xf32>
    %mul3A_24 = arith.mulf %add3A, %mul3A : vector<1000x64xf32>
    %get3A_25 = arith.constant 0 : index
    %get3A_26 = arith.constant 0 : index
    %get3A_27 = vector.load %arg5[%get3A_25, %get3A_26] : memref<1x64xf32, #tpu.memory_space<vmem>>, vector<1x64xf32>
    %add3A_28 = vector.broadcast %get3A_27 : vector<1x64xf32> to vector<1000x64xf32>
    %add3A_29 = arith.addf %mul3A_24, %add3A_28 : vector<1000x64xf32>
    %get3A_30 = arith.constant 0 : index
    %get3A_31 = arith.constant 0 : index
    %get3A_32 = vector.load %arg4[%get3A_30, %get3A_31] : memref<1000x64xf32, #tpu.memory_space<vmem>>, vector<1000x64xf32>
    %add3A_33 = arith.addf %add3A_29, %get3A_32 : vector<1000x64xf32>
    %max3A_34 = arith.constant 0.000000e+00 : f32
    %max3A_35 = vector.broadcast %max3A_34 : f32 to vector<1000x64xf32>
    %max3A_36 = arith.maximumf %add3A_33, %max3A_35 : vector<1000x64xf32>
    %broadcast_in_dim3A_37 = arith.constant 1.000000e+00 : f32
    %broadcast_in_dim3A_38 = vector.broadcast %broadcast_in_dim3A_37 : f32 to vector<1000x64xf32>
    %concatenate3A = tpu.concatenate %max3A_36, %broadcast_in_dim3A_38 in 1 : vector<1000x64xf32>, vector<1000x64xf32> -> vector<1000x128xf32>
    %get3A_39 = arith.constant 0 : index
    %get3A_40 = arith.constant 0 : index
    %get3A_41 = arith.constant 0 : index
    %get3A_42 = vector.load %arg6[%get3A_39, %get3A_40, %get3A_41] : memref<1x1x1000xi32, #tpu.memory_space<vmem>>, vector<1x1x1000xi32>
    %get3A_43 = vector.shape_cast %get3A_42 : vector<1x1x1000xi32> to vector<1000xi32>
    %iota3A = tpu.iota {dimensions = array<i32: 0>} : vector<8x1000xi32>
    %broadcast_in_dim3A_44 = vector.shape_cast %get3A_43 : vector<1000xi32> to vector<1x1000xi32>
    %eq3A = vector.broadcast %broadcast_in_dim3A_44 : vector<1x1000xi32> to vector<8x1000xi32>
    %eq3A_45 = arith.cmpi eq, %eq3A, %iota3A : vector<8x1000xi32>
    %convert_element_type3A = arith.extui %eq3A_45 : vector<8x1000xi1> to vector<8x1000xi32>
    %convert_element_type3A_46 = arith.sitofp %convert_element_type3A : vector<8x1000xi32> to vector<8x1000xf32>
    %dot_general3A = arith.constant dense<0.000000e+00> : vector<8x128xf32>
    %dot_general3A_47 = tpu.matmul %convert_element_type3A_46, %concatenate3A, %dot_general3A {dimension_numbers = #tpu.dot_dimension_numbers<[1], [0], [0], [1], [0, 0, 1, 1], [], []>, transpose_lhs_hint = false} : vector<8x1000xf32>, vector<1000x128xf32>, vector<8x128xf32> -> vector<8x128xf32>
    %eq3A_48 = arith.constant 0 : i32
    %eq3A_49 = arith.cmpi eq, %arg0, %eq3A_48 : i32
    %convert_element_type3A_50 = arith.extui %eq3A_49 : i1 to i32
    %cond3A = arith.constant 0 : i32
    %cond3A_51 = arith.cmpi ne, %convert_element_type3A_50, %cond3A : i32
    scf.if %cond3A_51 {
      %swap3A = arith.constant 0 : index
      %swap3A_61 = arith.constant 0 : index
      %swap3A_62 = vector.load %arg8[%swap3A, %swap3A_61] : memref<8x128xf32, #tpu.memory_space<vmem>>, vector<8x128xf32>
      tpu.vector_store %arg8[%swap3A, %swap3A_61], %dot_general3A_47 {strides = array<i32>} : memref<8x128xf32, #tpu.memory_space<vmem>>, vector<8x128xf32>,
    } else {
    }
    %gt3A = arith.constant 0 : i32
    %gt3A_52 = arith.cmpi sgt, %arg0, %gt3A : i32
    %convert_element_type3A_53 = arith.extui %gt3A_52 : i1 to i32
    %cond3A_54 = arith.constant 0 : i32
    %cond3A_55 = arith.cmpi ne, %convert_element_type3A_53, %cond3A_54 : i32
    scf.if %cond3A_55 {
      %get3A_61 = arith.constant 0 : index
      %get3A_62 = arith.constant 0 : index
      %get3A_63 = vector.load %arg8[%get3A_61, %get3A_62] : memref<8x128xf32, #tpu.memory_space<vmem>>, vector<8x128xf32>
      %add3A_64 = arith.addf %get3A_63, %dot_general3A_47 : vector<8x128xf32>
      %swap3A = arith.constant 0 : index
      %swap3A_65 = arith.constant 0 : index
      %swap3A_66 = vector.load %arg8[%swap3A, %swap3A_65] : memref<8x128xf32, #tpu.memory_space<vmem>>, vector<8x128xf32>
      tpu.vector_store %arg8[%swap3A, %swap3A_65], %add3A_64 {strides = array<i32>} : memref<8x128xf32, #tpu.memory_space<vmem>>, vector<8x128xf32>,
    } else {
    }
    %eq3A_56 = arith.constant 9 : i32
    %eq3A_57 = arith.cmpi eq, %arg0, %eq3A_56 : i32
    %convert_element_type3A_58 = arith.extui %eq3A_57 : i1 to i32
    %cond3A_59 = arith.constant 0 : i32
    %cond3A_60 = arith.cmpi ne, %convert_element_type3A_58, %cond3A_59 : i32
    scf.if %cond3A_60 {
      %get3A_61 = arith.constant 0 : index
      %get3A_62 = arith.constant 0 : index
      %get3A_63 = vector.load %arg8[%get3A_61, %get3A_62] : memref<8x128xf32, #tpu.memory_space<vmem>>, vector<8x64xf32>
      %get3A_64 = arith.constant 0 : index
      %get3A_65 = arith.constant 64 : index
      %get3A_66 = vector.load %arg8[%get3A_64, %get3A_65] : memref<8x128xf32, #tpu.memory_space<vmem>>, vector<8x64xf32>
      %max3A_67 = arith.constant 1.000000e+00 : f32
      %max3A_68 = vector.broadcast %max3A_67 : f32 to vector<8x64xf32>
      %max3A_69 = arith.maximumf %get3A_66, %max3A_68 : vector<8x64xf32>
      %div3A_70 = arith.divf %get3A_63, %max3A_69 : vector<8x64xf32>
      %swap3A = arith.constant 0 : index
      %swap3A_71 = arith.constant 0 : index
      %swap3A_72 = vector.load %arg7[%swap3A, %swap3A_71] : memref<8x64xf32, #tpu.memory_space<vmem>>, vector<8x64xf32>
      tpu.vector_store %arg7[%swap3A, %swap3A_71], %div3A_70 {strides = array<i32>} : memref<8x64xf32, #tpu.memory_space<vmem>>, vector<8x64xf32>,
    } else {
    }
    return
  }
  func.func @transform_0(%arg0: i32) -> (i32, i32, i32) {
    %c0_i32 = arith.constant 0 : i32
    %c0_i32_0 = arith.constant 0 : i32
    %c0_i32_1 = arith.constant 0 : i32
    return %c0_i32, %arg0, %c0_i32_0 : i32, i32, i32
  }
  func.func @transform_1(%arg0: i32) -> (i32, i32, i32) {
    %c0_i32 = arith.constant 0 : i32
    %c0_i32_0 = arith.constant 0 : i32
    %c0_i32_1 = arith.constant 0 : i32
    return %arg0, %c0_i32, %c0_i32_0 : i32, i32, i32
  }
  func.func @transform_2(%arg0: i32) -> (i32, i32, i32) {
    %c0_i32 = arith.constant 0 : i32
    %c0_i32_0 = arith.constant 0 : i32
    %c0_i32_1 = arith.constant 0 : i32
    return %arg0, %c0_i32, %c0_i32_0 : i32, i32, i32
  }
  func.func @transform_3(%arg0: i32) -> (i32, i32) {
    %c0_i32 = arith.constant 0 : i32
    %c0_i32_0 = arith.constant 0 : i32
    return %arg0, %c0_i32 : i32, i32
  }
  func.func @transform_4(%arg0: i32) -> (i32, i32) {
    %c0_i32 = arith.constant 0 : i32
    %c0_i32_0 = arith.constant 0 : i32
    %c0_i32_1 = arith.constant 0 : i32
    return %c0_i32, %c0_i32_0 : i32, i32
  }
  func.func @transform_5(%arg0: i32) -> (i32, i32, i32) {
    %c0_i32 = arith.constant 0 : i32
    %c0_i32_0 = arith.constant 0 : i32
    %c0_i32_1 = arith.constant 0 : i32
    return %arg0, %c0_i32, %c0_i32_0 : i32, i32, i32
  }
  func.func @transform_6(%arg0: i32) -> (i32, i32) {
    %c0_i32 = arith.constant 0 : i32
    %c0_i32_0 = arith.constant 0 : i32
    %c0_i32_1 = arith.constant 0 : i32
    return %c0_i32, %c0_i32_0 : i32, i32
  }
}

</mosaic_0001>

<sc_bundles>
// kernel: kernel.10.cloned.1.call-start
scs
__scs_entry_jumppad:
0x0: {  	(pc) =	sbr.rel $0x88, $3  }
0x1: {  	(tag) =	ssettag $0x0;
	lr =	simm.s32 $0x1  }
0x2: {  	[smem:$0x3F98] =	sst lr;
	_ =	strace $0xD0000000  }
0x3: {  	_ = 	snop  }
0x4: {  	_ = 	snop  }
0x5: {  	_ = 	snop  }
0x6: {  	_ = 	snop  }
0x7: {  	_ = 	snop  }
__scs_overlays_trampoline_lowered:
0x8: {  	[smem:$0x3FA7] =	sst s0  }
0x9: {  	[smem:$0x3FA8] =	sst s1  }
0xa: {  	[smem:$0x3FA9] =	sst s2  }
0xb: {  	[smem:$0x3FAA] =	sst s3  }
0xc: {  	[smem:$0x3FAB] =	sst s4  }
0xd: {  	[smem:$0x3FAC] =	sst s5  }
0xe: {  	[smem:$0x3FAD] =	sst s6  }
0xf: {  	[smem:$0x3FAE] =	sst s7  }
0x10: {  	[smem:$0x3FAF] =	sst s8  }
0x11: {  	[smem:$0x3FB0] =	sst s9;
	s0 =	simm.s32 @!p0 $0x0  }
0x12: {  	s1 =	sld [smem:$0x3F96];
	s0 =	simm.s32 @p0 $0x1  }
0x13: {  	[smem:$0x3FB1] =	sst s0;
	s0 =	simm.s32 @!p1 $0x0  }
0x14: {  	s2 =	sld [smem:$0x3F95];
	s0 =	simm.s32 @p1 $0x1  }
0x15: {  	[smem:$0x3FB2] =	sst s0;
	s0 =	simm.s32 @!p2 $0x0  }
0x16: {  	s3 =	sld [smem:$0x3FDB];
	s0 =	simm.s32 @p2 $0x1  }
0x17: {  	s4 =	simm.s32 $0x1BF5;
	[smem:$0x3FB4] =	sst s0  }
0x18: {  	s0 =	sld [smem:$0x3F97];
	_ =	swait.ge [sflag:s4], $0x0  }
0x19: {  	s7 =	sld [smem:$0x3F98]  }
0x1a: {  	s8 =	sadd.s32 $0xFFFFE003, lr  }
0x1b: {  	s9 =	sadd.s32 $0xFFFFFEF7, lr;
	s5 =	simm.s32 $0xFFFFFFFF;
	p2 =	slt.u32 s8, $0xFFFFF086  }
0x1c: {  	p1 =	slt.u32 s9, $0xF7A;
	s5 =	simm.s32 @!p2 $0x0  }
0x1d: {  	s5 =	simm.s32 @p1 $0x1;
	p0 =	seq.s32 s7, s2  }
0x1e: {  	s7 =	smul.u32 @!p0 $0xF7A, s2;
	p2 =	seq.s32 @!p0 s5, $0x0  }
0x1f: {  	s9 =	smul.u32 $0xF7A, s1;
	s8 =	simm.s32 @!p0 $0x1BF5;
	p2 =	por !p2, p0  }
0x20: {  	[sflag:s8] =	ssyncset.s32 @!p0 $0xFFFFF086;
	s6 =	sadd.s32 @!p0 s3, s7;
	s7 =	simm.s32 @!p0 $0x108  }
0x21: {  	s3 =	sadd.s32 s3, s9;
	s6 =	sadd.s32 @!p0 $0x88, s6;
	s7 =	simm.s32 @p2 $0x1082  }
0x22: {  	[simem:s7], [sflag:s8] =	dma.local @!p0 [hbm:s6], $0xF7A  }
0x23: {  	s9 =	sor.u32 $0xD0000000, s2;
	s6 =	simm.s32 $0x108;
	_ =	swait.ge @!p0 [sflag:s8], $0x0  }
0x24: {  	s3 =	sadd.s32 $0x88, s3;
	s6 =	simm.s32 @!p1 $0x1082;
	[sflag:s4] =	ssyncset.s32 $0xFFFFF086  }
0x25: {  	[simem:s6], [sflag:s4] =	dma.local [hbm:s3], $0xF7A  }
0x26: {  	[smem:$0x3F98] =	sst s1;
	(tag) =	ssettag s2;
	_ =	strace s9  }
0x27: {  	s1 =	sld [smem:$0x3FA8]  }
0x28: {  	s2 =	sld [smem:$0x3FA9]  }
0x29: {  	s4 =	sld [smem:$0x3FAB]  }
0x2a: {  	p0 =	seq.s32 s5, $0x0;
	s5 =	sld [smem:$0x3FAC]  }
0x2b: {  	s6 =	sld [smem:$0x3FAD]  }
0x2c: {  	s7 =	sld [smem:$0x3FAE]  }
0x2d: {  	s3 =	simm.s32 $0x108;
	s8 =	sld [smem:$0x3FAF]  }
0x2e: {  	s3 =	simm.s32 @!p0 $0x1082;
	s9 =	sld [smem:$0x3FB0]  }
0x2f: {  	lr =	sadd.s32 s0, s3;
	s0 =	sld [smem:$0x3FA7]  }
0x30: {  	s3 =	sld [smem:$0x3FAA]  }
0x31: {  	[smem:$0x3FB3] =	sst s10  }
0x32: {  	s10 =	sld [smem:$0x3FB1];
	_ =	sdelay $0x3  }
0x33: {  	p0 =	seq.s32 s10, $0x1;
	s10 =	sld [smem:$0x3FB3];
	_ =	sdelay $0x3  }
0x34: {  	[smem:$0x3FB3] =	sst s10  }
0x35: {  	s10 =	sld [smem:$0x3FB2];
	_ =	sdelay $0x3  }
0x36: {  	p1 =	seq.s32 s10, $0x1;
	s10 =	sld [smem:$0x3FB3];
	_ =	sdelay $0x3  }
0x37: {  	[smem:$0x3FB3] =	sst s10  }
0x38: {  	s10 =	sld [smem:$0x3FB4]  }
0x39: {  	_ = 	snop;
	(pc) =	sbr.ind lr, $3  }
0x3a: {  	_ = 	snop  }
0x3b: {  	_ = 	snop  }
0x3c: {  	p2 =	seq.s32 s10, $0x1;
	s10 =	sld [smem:$0x3FB3]  }
0x3d: {  	_ =	shalt  }
0x3e: {  	_ =	shalt  }
0x3f: {  	_ =	shalt  }
0x40: {  	_ =	shalt  }
0x41: {  	_ =	shalt  }
0x42: {  	_ =	shalt  }
0x43: {  	_ =	shalt  }
0x44: {  	_ =	shalt  }
0x45: {  	_ =	shalt  }
0x46: {  	_ =	shalt  }
0x47: {  	_ =	shalt  }
0x48: {  	_ =	shalt  }
0x49: {  	_ =	shalt  }
0x4a: {  	_ =	shalt  }
0x4b: {  	_ =	shalt  }
0x4c: {  	_ =	shalt  }
0x4d: {  	_ =	shalt  }
0x4e: {  	_ =	shalt  }
0x4f: {  	_ =	shalt  }
0x50: {  	_ =	shalt  }
0x51: {  	_ =	shalt  }
0x52: {  	_ =	shalt  }
0x53: {  	_ =	shalt  }
0x54: {  	_ =	shalt  }
0x55: {  	_ =	shalt  }
0x56: {  	_ =	shalt  }
0x57: {  	_ =	shalt  }
0x58: {  	_ =	shalt  }
0x59: {  	_ =	shalt  }
0x5a: {  	_ =	shalt  }
0x5b: {  	_ =	shalt  }
0x5c: {  	_ =	shalt  }
0x5d: {  	_ =	shalt  }
0x5e: {  	_ =	shalt  }
0x5f: {  	_ =	shalt  }
0x60: {  	_ =	shalt  }
0x61: {  	_ =	shalt  }
0x62: {  	_ =	shalt  }
0x63: {  	_ =	shalt  }
0x64: {  	_ =	shalt  }
0x65: {  	_ =	shalt  }
0x66: {  	_ =	shalt  }
0x67: {  	_ =	shalt  }
0x68: {  	_ =	shalt  }
0x69: {  	_ =	shalt  }
0x6a: {  	_ =	shalt  }
0x6b: {  	_ =	shalt  }
0x6c: {  	_ =	shalt  }
0x6d: {  	_ =	shalt  }
0x6e: {  	_ =	shalt  }
0x6f: {  	_ =	shalt  }
0x70: {  	_ =	shalt  }
0x71: {  	_ =	shalt  }
0x72: {  	_ =	shalt  }
0x73: {  	_ =	shalt  }
0x74: {  	_ =	shalt  }
0x75: {  	_ =	shalt  }
0x76: {  	_ =	shalt  }
0x77: {  	_ =	shalt  }
0x78: {  	_ =	shalt  }
0x79: {  	_ =	shalt  }
0x7a: {  	_ =	shalt  }
0x7b: {  	_ =	shalt  }
0x7c: {  	_ =	shalt  }
0x7d: {  	_ =	shalt  }
0x7e: {  	_ =	shalt  }
0x7f: {  	_ =	shalt  }
0x80: {  	_ =	shalt  }
0x81: {  	_ =	shalt  }
0x82: {  	_ =	shalt  }
0x83: {  	_ =	shalt  }
0x84: {  	_ =	shalt  }
0x85: {  	_ =	shalt  }
0x86: {  	_ =	shalt  }
0x87: {  	_ =	shalt  }
.Lfunc_end0:
.L_simem_size_0:
called_computation.1_lowered:
.L_overlay_start_0:
0x88: {  	s2 =	sld [smem:$0x3FD9]  }
0x89: {  	s3 =	sld [smem:$0x3FFE];
	_ =	sdelay $0x1  }
0x8a: {  	s1 =	srdreg.scid  }
0x8b: {  	s0 =	sand.u32 $0x1, s1  }
0x8c: {  	s16 =	sshll.u32 s0, $0xA;
	s2 =	sadd.s32 s3, s2  }
0x8d: {  	s2 =	sadd.s32 s2, s16  }
0x8e: {  	[smem:$0x3FBF] =	sst s2  }
0x8f: {  	_ = 	snop  }
0x90: {  	(tm) =	ssettm $0x1  }
0x91: {  	s17 =	sld [smem:$0x3FFB];
	_ =	sdelay $0x3  }
0x92: {  	_ =	strace s17  }
0x93: {  	s2 =	sld [smem:$0x3FFC];
	_ =	sdelay $0x3  }
0x94: {  	_ =	strace s2  }
0x95: {  	s2 =	sld [smem:$0x3FFD];
	_ =	sdelay $0x3  }
0x96: {  	_ =	strace s2  }
0x97: {  	_ =	strace $0x8FFFFFFF  }
0x98: {  	s18 =	sld [smem:$0x3FDB];
	_ =	sdelay $0x1  }
0x99: {  	s19 =	simm.s32 $_scs_section_size  }
0x9a: {  	s4 =	simm.s32 $_size__tile_overlayer_lowered;
	s5 =	simm.s32 $_tile_overlayer_lowered  }
0x9b: {  	s22 =	simm.s32 $0x1BFF;
	s21 =	sshll.u32 s5, $0x1;
	s2 =	sadd.s32 s19, s18  }
0x9c: {  	s6 =	simm.s32 $0x0;
	s20 =	sshll.u32 s4, $0x1;
	s4 =	sadd.s32 s21, s2  }
0x9d: {  	[timem:s6], [sflag:s22] =	dma.local [hbm:s4], s20  }
0x9e: {  	_ =	swait.ge [sflag:s22], s20  }
0x9f: {  	s3 =	ssub.s32 $0x0, s20;
	[sflag:s22] =	ssyncset.done $0x0  }
0xa0: {  	[sflag:s22] =	ssyncadd.s32 s3;
	_ =	sdelay $0x1  }
0xa1: {  	s23 =	simm.s32 $0x1B8B  }
0xa2: {  	_ =	swait.ge [sflag:s23], $0x1  }
0xa3: {  	[sflag:s23] =	ssyncset.done $0x0  }
0xa4: {  	s25 =	simm.s32 $0x1B8E;
	s24 =	sld [smem:$0x3FFE];
	[sflag:s23] =	ssyncadd.s32 $0xFFFFFFFF  }
0xa5: {  	s26 =	simm.s32 $execute0_lowered;
	[smem:$0x3FD2] =	sst s25  }
0xa6: {  	s4 =	sshll.u32 s26, $0x1;
	_ =	strace $0x80000049;
	[dreg:$0x1] =	wrdreg $0xFFFFFFFF  }
0xa7: {  	s28 =	simm.s32 $_size_execute0_lowered;
	s2 =	sadd.s32 s2, s4;
	[dreg:$0x0] =	wrdreg $0x0  }
0xa8: {  	s4 =	sshll.u32 s28, $0x1;
	[dreg:$0x2] =	wrdreg s2  }
0xa9: {  	[dreg:$0x3] =	wrdreg s4  }
0xaa: {  	[dreg:$0x4] =	wrdreg $0xC0  }
0xab: {  	_ =	task [dreg:s6], $0x5FFFF  }
0xac: {  	[dreg:$0x1] =	wrdreg $0xFFFFFFFF  }
0xad: {  	[dreg:$0x0] =	wrdreg $0x60  }
0xae: {  	[dreg:$0x2] =	wrdreg s24  }
0xaf: {  	[dreg:$0x3] =	wrdreg $0xB1000  }
0xb0: {  	[dreg:$0x4] =	wrdreg $0x14D400  }
0xb1: {  	[dreg:$0x5] =	wrdreg $0x9  }
0xb2: {  	_ =	task.clear_ibuf [dreg:s6], $0x6FFFF;
	_ =	strace $0x90000049  }
0xb3: {  	s29 =	simm.s32 $0x9;
	_ =	strace $0x8000004B  }
0xb4: {  	_ =	swait.ge [sflag:s29], $0x1  }
0xb5: {  	[sflag:s29] =	ssyncadd.s32 $0xFFFFFFFF  }
0xb6: {  	_ =	strace $0x9000004B  }
0xb7: {  	_ =	sfence  }
0xb8: {  	s30 =	sld [smem:$0x0];
	_ =	sdelay $0x2  }
0xb9: {  	s31 =	sshll.u32 s1, $0xD;
	s1 =	sshrl.u32 s1, $0x2  }
0xba: {  	s3 =	sand.u32 $0x4000, s31;
	s1 =	sadd.s32 s1, s30  }
0xbb: {  	s0 =	sor.u32 s3, s0;
	s1 =	sshll.u32 s1, $0x11  }
0xbc: {  	s0 =	sor.u32 s1, s0  }
0xbd: {  	s0 =	sadd.s32 $0x8F2B, s0  }
0xbe: {  	[sflag:s0] =	ssyncadd.remote.s32 $0x1  }
0xbf: {  	_ =	sfence.sel $0xFFFF  }
0xc0: {  	[dreg:$0x0] =	wrdreg $0xFFFFFFFF;
	(pc) =	sbr.abs _section_cstart, $3  }
0xc1: {  	[dreg:$0x1] =	wrdreg $0xFFFFFFFF  }
0xc2: {  	_ =	task.clear_ibuf [dreg:s6], $0x2FFFF;
	_ =	strace $0x9FFFFFFF  }
0xc3: {  	(tm) =	ssettm $0x7FFFFFFF  }
tec
execute0_lowered:
.L_overlay_start_1:
0x0: {  	(tag) =	ssettag $0x1  }
0x1: {  	s5 =	rddreg [dreg:$0x0];
	s0 =	stileid.u32  }
0x2: {  	s1 =	srdreg.scid;
	s2 =	rddreg [dreg:$0x1]  }
0x3: {  	s3 =	rddreg [dreg:$0x2];
	s4 =	simm.s32 $0x0;
	s17 =	simm.s32 $0x5100  }
0x4: {  	s18 =	simm.s32 $0x8100;
	s19 =	simm.s32 $0x1;
	s6 =	smul.u32 $0x9C40, s0  }
0x5: {  	s20 =	simm.s32 $0x2;
	s21 =	simm.s32 $0x4F80;
	s9 =	smul.u32 $0x510, s0  }
0x6: {  	s22 =	simm.s32 $0x5040;
	s7 =	sand.u32 $0x1, s1;
	s10 =	smul.u32 $0x9E00, s0  }
0x7: {  	s23 =	simm.s32 $0x0;
	s1 =	rddreg [dreg:$0x3];
	s8 =	smul.u32 $0x5100, s7  }
0x8: {  	[smem:$0x7FF] =	sst s4;
	s31 =	sshll.u32 s0, $0x6;
	s29 =	smul.u32 $0x9E000, s7  }
0x9: {  	_ =	strace $0x8000004A;
	s7 =	ssub.s32 $0x2, s7;
	s11 =	sshrl.u32 s6, $0x3  }
0xa: {  	s30 =	sshrl.u32 s10, $0x3;
	s13 =	sshrl.u32 s7, $0x1;
	s15 =	sadd.s32 s6, s2  }
0xb: {  	s6 =	sor.u32 $0x1C03, s31;
	s16 =	sadd.s32 s10, s3;
	s8 =	sadd.s32 s9, s8  }
0xc: {  	s11 =	sadd.s32 s11, s5;
	s9 =	sadd.s32 s10, s29;
	s13 =	ssub.s32 s7, s13  }
0xd: {  	s12 =	sadd.s32 s8, s5;
	s8 =	sadd.s32 s30, s5;
	s9 =	sshrl.u32 s9, $0x3  }
0xe: {  	s14 =	sadd.s32 s9, s5;
	s5 =	sadd.s32 $0x1200, s11;
	s7 =	sadd.s32 $0x29000, s8  }
0xf: {  	s8 =	sadd.s32 $0x14C00, s12;
	s9 =	sadd.s32 $0x1EE00, s12;
	s11 =	smax.u32 s13, $0x1  }
0x10: {  	s12 =	sshrl.u32 s15, $0x3;
	s13 =	simm.s32 $0x3;
	s15 =	simm.s32 $0x2880  }
0x11: {  	s10 =	sadd.s32 $0x3CC00, s14;
	s14 =	sshrl.u32 s16, $0x3;
	s16 =	simm.s32 $0xC0  }
.LBB2_1:
0x12: {  	[spmem:s12], [sflag:s6] =	dma.local [hbm:s5], $0x1388  }
0x13: {  	_ =	swait.ge [sflag:s13], $0x1388  }
0x14: {  	[sflag:s13] =	ssyncset.done $0x0  }
0x15: {  	[sflag:s13] =	ssyncadd.s32 $0xFFFFEC78  }
0x16: {  	[spmem:s14], [sflag:s6] =	dma.local [hbm:s7], $0x13C0  }
0x17: {  	_ =	swait.ge [sflag:s13], $0x13C0  }
0x18: {  	[sflag:s13] =	ssyncset.done $0x0  }
0x19: {  	[sflag:s13] =	ssyncadd.s32 $0xFFFFEC40  }
0x1a: {  	[tilespmem:s4], [sflag:$0x3] =	stream.linear.gather [hbm4b:s8+s4], $0x2880, $0x38;
	[tilespmem:$0x1EB40] =	vst v63  }
0x1b: {  	_ =	swait.ge [sflag:s13], $0x2880  }
0x1c: {  	[sflag:s13] =	ssyncset.done $0x0  }
0x1d: {  	[sflag:s13] =	ssyncadd.s32 $0xFFFFD780  }
0x1e: {  	[tilespmem:s15], [sflag:$0x3] =	stream.linear.gather [hbm4b:s9+s4], $0x2880, $0x38;
	[tilespmem:$0x1EB40] =	vst v63  }
0x1f: {  	_ =	swait.ge [sflag:s13], $0x2880  }
0x20: {  	[sflag:s13] =	ssyncset.done $0x0  }
0x21: {  	[sflag:s13] =	ssyncadd.s32 $0xFFFFD780  }
0x22: {  	[bflag:$0x0] =	sbarrier.arrive $0xFFFF  }
0x23: {  	[tilespmem:s17], [sflag:$0x1] =	stream.indirect.gather [spmem:s2], $0x40, s4, s16, $0xb8;
	[tilespmem:$0x1EB40] =	vst v63  }
0x24: {  	_ = 	snop  }
0x25: {  	[tilespmem:s18], [sflag:$0x1] =	stream.indirect.gather [spmem:s2], $0x40, s16, s16, $0xb8;
	[tilespmem:$0x1EB40] =	vst v63  }
0x26: {  	_ =	swait.ge [sflag:s19], $0x3000  }
0x27: {  	[sflag:s19] =	ssyncset.done $0x0  }
0x28: {  	s24 =	simm.s32 $0x2880;
	[sflag:s19] =	ssyncadd.s32 $0xFFFFD000  }
0x29: {  	[spmem:s3] =	stream.indirect.scatter.add.f32 [tilespmem:s17], [sflag:$0x2], $0x40, s24, s16, $0xb8;
	[tilespmem:$0x1EB40] =	vst v63  }
0x2a: {  	_ =	swait.ge [sflag:s19], $0x3000  }
0x2b: {  	[sflag:s19] =	ssyncset.done $0x0  }
0x2c: {  	s30 =	simm.s32 $0x2940;
	[sflag:s19] =	ssyncadd.s32 $0xFFFFD000  }
0x2d: {  	[spmem:s3] =	stream.indirect.scatter.add.f32 [tilespmem:s18], [sflag:$0x2], $0x40, s30, s16, $0xb8;
	[tilespmem:$0x1EB40] =	vst v63  }
0x2e: {  	_ =	swait.ge [sflag:s20], $0x3000  }
0x2f: {  	[sflag:s20] =	ssyncset.done $0x0  }
0x30: {  	s31 =	simm.s32 $0x180;
	[sflag:s20] =	ssyncadd.s32 $0xFFFFD000  }
0x31: {  	[tilespmem:s17], [sflag:$0x1] =	stream.indirect.gather [spmem:s2], $0x40, s31, s16, $0xb8;
	[tilespmem:$0x1EB40] =	vst v63  }
0x32: {  	_ =	swait.ge [sflag:s20], $0x3000  }
0x33: {  	[sflag:s20] =	ssyncset.done $0x0  }
0x34: {  	s25 =	simm.s32 $0x240;
	s24 =	simm.s32 $0x600;
	[sflag:s20] =	ssyncadd.s32 $0xFFFFD000  }
.LBB2_2:
0x35: {  	[tilespmem:s18], [sflag:$0x1] =	stream.indirect.gather [spmem:s2], $0x40, s25, s16, $0xb8;
	[tilespmem:$0x1EB40] =	vst v63  }
0x36: {  	s25 =	smov.u32 s24  }
0x37: {  	p0 =	sne.s32 s24, $0x9600;
	s24 =	sadd.s32 $0x600, s24;
	_ =	swait.ge [sflag:s19], $0x3000  }
0x38: {  	s25 =	sshra.s32 s25, $0x2;
	[sflag:s19] =	ssyncset.done $0x0  }
0x39: {  	s26 =	sadd.s32 $0x2880, s25;
	[sflag:s19] =	ssyncadd.s32 $0xFFFFD000  }
0x3a: {  	[spmem:s3] =	stream.indirect.scatter.add.f32 [tilespmem:s17], [sflag:$0x2], $0x40, s26, s16, $0xb8;
	[tilespmem:$0x1EB40] =	vst v63  }
0x3b: {  	_ =	swait.ge [sflag:s19], $0x3000  }
0x3c: {  	[sflag:s19] =	ssyncset.done $0x0  }
0x3d: {  	s26 =	sadd.s32 $0x2940, s25;
	[sflag:s19] =	ssyncadd.s32 $0xFFFFD000  }
0x3e: {  	[spmem:s3] =	stream.indirect.scatter.add.f32 [tilespmem:s18], [sflag:$0x2], $0x40, s26, s16, $0xb8;
	[tilespmem:$0x1EB40] =	vst v63  }
0x3f: {  	_ =	swait.ge [sflag:s20], $0x3000  }
0x40: {  	[sflag:s20] =	ssyncset.done $0x0  }
.Ltmp0:
0x41: {  	s26 =	sadd.s32 $0x180, s25;
	[sflag:s20] =	ssyncadd.s32 $0xFFFFD000;
	(pc) =	sbr.rel @p0 .LBB2_2-.Ltmp0, $4  }
0x42: {  	[tilespmem:s17], [sflag:$0x1] =	stream.indirect.gather [spmem:s2], $0x40, s26, s16, $0xb8;
	[tilespmem:$0x1EB40] =	vst v63  }
0x43: {  	_ =	swait.ge [sflag:s20], $0x3000  }
0x44: {  	[sflag:s20] =	ssyncset.done $0x0  }
0x45: {  	s25 =	sadd.s32 $0x240, s25;
	[sflag:s20] =	ssyncadd.s32 $0xFFFFD000  }
0x46: {  	[tilespmem:s18], [sflag:$0x1] =	stream.indirect.gather [spmem:s2], $0x40, s25, s16, $0xb8;
	[tilespmem:$0x1EB40] =	vst v63  }
0x47: {  	_ =	swait.ge [sflag:s19], $0x3000  }
0x48: {  	[sflag:s19] =	ssyncset.done $0x0  }
0x49: {  	[sflag:s19] =	ssyncadd.s32 $0xFFFFD000  }
0x4a: {  	[spmem:s3] =	stream.indirect.scatter.add.f32 [tilespmem:s17], [sflag:$0x2], $0x40, s21, s16, $0xb8;
	[tilespmem:$0x1EB40] =	vst v63  }
0x4b: {  	_ =	swait.ge [sflag:s19], $0x3000  }
0x4c: {  	[sflag:s19] =	ssyncset.done $0x0  }
0x4d: {  	[sflag:s19] =	ssyncadd.s32 $0xFFFFD000  }
0x4e: {  	[spmem:s3] =	stream.indirect.scatter.add.f32 [tilespmem:s18], [sflag:$0x2], $0x40, s22, s16, $0xb8;
	[tilespmem:$0x1EB40] =	vst v63  }
0x4f: {  	_ =	swait.ge [sflag:s20], $0x3000  }
0x50: {  	[sflag:s20] =	ssyncset.done $0x0  }
0x51: {  	[sflag:s20] =	ssyncadd.s32 $0xFFFFD000  }
0x52: {  	_ =	swait.ge [sflag:s20], $0x3000  }
0x53: {  	s23 =	sadd.s32 $0x1, s23;
	[sflag:s20] =	ssyncset.done $0x0  }
0x54: {  	p0 =	sne.s32 s23, s11;
	[sflag:s20] =	ssyncadd.s32 $0xFFFFD000  }
.Ltmp1:
0x55: {  	[bflag:$0x0] =	sbarrier.arrive $0xFFFF;
	(pc) =	sbr.rel @p0 .LBB2_1-.Ltmp1, $4  }
0x56: {  	[hbm:s10], [sflag:s6] =	dma.local [spmem:s14], $0x13C0  }
0x57: {  	_ =	swait.ge [sflag:s13], $0x13C0  }
0x58: {  	[sflag:s13] =	ssyncset.done $0x0  }
0x59: {  	[sflag:s13] =	ssyncadd.s32 $0xFFFFEC40  }
0x5a: {  	_ =	sfence.sel $0x180000  }
0x5b: {  	[bflag:$0x0] =	sbarrier.arrive $0xFFFF  }
0x5c: {  	p0 =	sne.s32 s0, $0x0;
	_ =	strace $0x9000004A  }
0x5d: {  	s0 =	sadd.s32 @!p0 $0x100000, s1;
	[bflag:$0x2] =	sbarrier.arrive $0xFFFF  }
0x5e: {  	[sflag:s0] =	ssyncadd.tile.s32 @!p0 $0x1;
	_ =	shalt  }
.Lfunc_end2:
_tile_overlayer_lowered:
.L_overlay_start_2:
0x5f: {  	(tag) =	ssettag $0x2  }
0x60: {  	s0 =	rddreg [dreg:$0x0];
	s2 =	stileid.u32  }
0x61: {  	s1 =	rddreg [dreg:$0x1];
	p0 =	sne.s32 s2, $0x0  }
0x62: {  	s3 =	rddreg [dreg:$0x2];
	[bflag:$0x3] =	sbarrier.arrive $0xFFFF;
	s2 =	simm.s32 @!p0 $0x1C03  }
0x63: {  	[timem:s3], [sflag:s2] =	dma.local @!p0 [hbm:s0], s1  }
0x64: {  	s0 =	simm.s32 @!p0 $0x3  }
0x65: {  	_ =	swait.ge @!p0 [sflag:s0], s1  }
0x66: {  	s1 =	ssub.s32 @!p0 $0x0, s1;
	[sflag:s0] =	ssyncset.done @!p0 $0x0  }
0x67: {  	[sflag:s0] =	ssyncadd.s32 @!p0 s1  }
0x68: {  	[bflag:$0x3] =	sbarrier.arrive $0xFFFF  }
0x69: {  	_ =	shalt  }

// kernel: kernel.7.cloned.1.call-start
scs
__scs_entry_jumppad:
0x0: {  	(pc) =	sbr.rel $0x88, $3  }
0x1: {  	(tag) =	ssettag $0x0;
	lr =	simm.s32 $0x1  }
0x2: {  	[smem:$0x3F98] =	sst lr;
	_ =	strace $0xD0000000  }
0x3: {  	_ = 	snop  }
0x4: {  	_ = 	snop  }
0x5: {  	_ = 	snop  }
0x6: {  	_ = 	snop  }
0x7: {  	_ = 	snop  }
__scs_overlays_trampoline_lowered:
0x8: {  	[smem:$0x3FA7] =	sst s0  }
0x9: {  	[smem:$0x3FA8] =	sst s1  }
0xa: {  	[smem:$0x3FA9] =	sst s2  }
0xb: {  	[smem:$0x3FAA] =	sst s3  }
0xc: {  	[smem:$0x3FAB] =	sst s4  }
0xd: {  	[smem:$0x3FAC] =	sst s5  }
0xe: {  	[smem:$0x3FAD] =	sst s6  }
0xf: {  	[smem:$0x3FAE] =	sst s7  }
0x10: {  	[smem:$0x3FAF] =	sst s8  }
0x11: {  	[smem:$0x3FB0] =	sst s9;
	s0 =	simm.s32 @!p0 $0x0  }
0x12: {  	s1 =	sld [smem:$0x3F96];
	s0 =	simm.s32 @p0 $0x1  }
0x13: {  	[smem:$0x3FB1] =	sst s0;
	s0 =	simm.s32 @!p1 $0x0  }
0x14: {  	s2 =	sld [smem:$0x3F95];
	s0 =	simm.s32 @p1 $0x1  }
0x15: {  	[smem:$0x3FB2] =	sst s0;
	s0 =	simm.s32 @!p2 $0x0  }
0x16: {  	s3 =	sld [smem:$0x3FDB];
	s0 =	simm.s32 @p2 $0x1  }
0x17: {  	s4 =	simm.s32 $0x1BF5;
	[smem:$0x3FB4] =	sst s0  }
0x18: {  	s0 =	sld [smem:$0x3F97];
	_ =	swait.ge [sflag:s4], $0x0  }
0x19: {  	s7 =	sld [smem:$0x3F98]  }
0x1a: {  	s8 =	sadd.s32 $0xFFFFE003, lr  }
0x1b: {  	s9 =	sadd.s32 $0xFFFFFEF7, lr;
	s5 =	simm.s32 $0xFFFFFFFF;
	p2 =	slt.u32 s8, $0xFFFFF086  }
0x1c: {  	p1 =	slt.u32 s9, $0xF7A;
	s5 =	simm.s32 @!p2 $0x0  }
0x1d: {  	s5 =	simm.s32 @p1 $0x1;
	p0 =	seq.s32 s7, s2  }
0x1e: {  	s7 =	smul.u32 @!p0 $0xF7A, s2;
	p2 =	seq.s32 @!p0 s5, $0x0  }
0x1f: {  	s9 =	smul.u32 $0xF7A, s1;
	s8 =	simm.s32 @!p0 $0x1BF5;
	p2 =	por !p2, p0  }
0x20: {  	[sflag:s8] =	ssyncset.s32 @!p0 $0xFFFFF086;
	s6 =	sadd.s32 @!p0 s3, s7;
	s7 =	simm.s32 @!p0 $0x108  }
0x21: {  	s3 =	sadd.s32 s3, s9;
	s6 =	sadd.s32 @!p0 $0x88, s6;
	s7 =	simm.s32 @p2 $0x1082  }
0x22: {  	[simem:s7], [sflag:s8] =	dma.local @!p0 [hbm:s6], $0xF7A  }
0x23: {  	s9 =	sor.u32 $0xD0000000, s2;
	s6 =	simm.s32 $0x108;
	_ =	swait.ge @!p0 [sflag:s8], $0x0  }
0x24: {  	s3 =	sadd.s32 $0x88, s3;
	s6 =	simm.s32 @!p1 $0x1082;
	[sflag:s4] =	ssyncset.s32 $0xFFFFF086  }
0x25: {  	[simem:s6], [sflag:s4] =	dma.local [hbm:s3], $0xF7A  }
0x26: {  	[smem:$0x3F98] =	sst s1;
	(tag) =	ssettag s2;
	_ =	strace s9  }
0x27: {  	s1 =	sld [smem:$0x3FA8]  }
0x28: {  	s2 =	sld [smem:$0x3FA9]  }
0x29: {  	s4 =	sld [smem:$0x3FAB]  }
0x2a: {  	p0 =	seq.s32 s5, $0x0;
	s5 =	sld [smem:$0x3FAC]  }
0x2b: {  	s6 =	sld [smem:$0x3FAD]  }
0x2c: {  	s7 =	sld [smem:$0x3FAE]  }
0x2d: {  	s3 =	simm.s32 $0x108;
	s8 =	sld [smem:$0x3FAF]  }
0x2e: {  	s3 =	simm.s32 @!p0 $0x1082;
	s9 =	sld [smem:$0x3FB0]  }
0x2f: {  	lr =	sadd.s32 s0, s3;
	s0 =	sld [smem:$0x3FA7]  }
0x30: {  	s3 =	sld [smem:$0x3FAA]  }
0x31: {  	[smem:$0x3FB3] =	sst s10  }
0x32: {  	s10 =	sld [smem:$0x3FB1];
	_ =	sdelay $0x3  }
0x33: {  	p0 =	seq.s32 s10, $0x1;
	s10 =	sld [smem:$0x3FB3];
	_ =	sdelay $0x3  }
0x34: {  	[smem:$0x3FB3] =	sst s10  }
0x35: {  	s10 =	sld [smem:$0x3FB2];
	_ =	sdelay $0x3  }
0x36: {  	p1 =	seq.s32 s10, $0x1;
	s10 =	sld [smem:$0x3FB3];
	_ =	sdelay $0x3  }
0x37: {  	[smem:$0x3FB3] =	sst s10  }
0x38: {  	s10 =	sld [smem:$0x3FB4]  }
0x39: {  	_ = 	snop;
	(pc) =	sbr.ind lr, $3  }
0x3a: {  	_ = 	snop  }
0x3b: {  	_ = 	snop  }
0x3c: {  	p2 =	seq.s32 s10, $0x1;
	s10 =	sld [smem:$0x3FB3]  }
0x3d: {  	_ =	shalt  }
0x3e: {  	_ =	shalt  }
0x3f: {  	_ =	shalt  }
0x40: {  	_ =	shalt  }
0x41: {  	_ =	shalt  }
0x42: {  	_ =	shalt  }
0x43: {  	_ =	shalt  }
0x44: {  	_ =	shalt  }
0x45: {  	_ =	shalt  }
0x46: {  	_ =	shalt  }
0x47: {  	_ =	shalt  }
0x48: {  	_ =	shalt  }
0x49: {  	_ =	shalt  }
0x4a: {  	_ =	shalt  }
0x4b: {  	_ =	shalt  }
0x4c: {  	_ =	shalt  }
0x4d: {  	_ =	shalt  }
0x4e: {  	_ =	shalt  }
0x4f: {  	_ =	shalt  }
0x50: {  	_ =	shalt  }
0x51: {  	_ =	shalt  }
0x52: {  	_ =	shalt  }
0x53: {  	_ =	shalt  }
0x54: {  	_ =	shalt  }
0x55: {  	_ =	shalt  }
0x56: {  	_ =	shalt  }
0x57: {  	_ =	shalt  }
0x58: {  	_ =	shalt  }
0x59: {  	_ =	shalt  }
0x5a: {  	_ =	shalt  }
0x5b: {  	_ =	shalt  }
0x5c: {  	_ =	shalt  }
0x5d: {  	_ =	shalt  }
0x5e: {  	_ =	shalt  }
0x5f: {  	_ =	shalt  }
0x60: {  	_ =	shalt  }
0x61: {  	_ =	shalt  }
0x62: {  	_ =	shalt  }
0x63: {  	_ =	shalt  }
0x64: {  	_ =	shalt  }
0x65: {  	_ =	shalt  }
0x66: {  	_ =	shalt  }
0x67: {  	_ =	shalt  }
0x68: {  	_ =	shalt  }
0x69: {  	_ =	shalt  }
0x6a: {  	_ =	shalt  }
0x6b: {  	_ =	shalt  }
0x6c: {  	_ =	shalt  }
0x6d: {  	_ =	shalt  }
0x6e: {  	_ =	shalt  }
0x6f: {  	_ =	shalt  }
0x70: {  	_ =	shalt  }
0x71: {  	_ =	shalt  }
0x72: {  	_ =	shalt  }
0x73: {  	_ =	shalt  }
0x74: {  	_ =	shalt  }
0x75: {  	_ =	shalt  }
0x76: {  	_ =	shalt  }
0x77: {  	_ =	shalt  }
0x78: {  	_ =	shalt  }
0x79: {  	_ =	shalt  }
0x7a: {  	_ =	shalt  }
0x7b: {  	_ =	shalt  }
0x7c: {  	_ =	shalt  }
0x7d: {  	_ =	shalt  }
0x7e: {  	_ =	shalt  }
0x7f: {  	_ =	shalt  }
0x80: {  	_ =	shalt  }
0x81: {  	_ =	shalt  }
0x82: {  	_ =	shalt  }
0x83: {  	_ =	shalt  }
0x84: {  	_ =	shalt  }
0x85: {  	_ =	shalt  }
0x86: {  	_ =	shalt  }
0x87: {  	_ =	shalt  }
.Lfunc_end0:
.L_simem_size_0:
called_computation_lowered:
.L_overlay_start_0:
0x88: {  	s2 =	sld [smem:$0x3FD9]  }
0x89: {  	s3 =	sld [smem:$0x3FFE];
	_ =	sdelay $0x1  }
0x8a: {  	s1 =	srdreg.scid  }
0x8b: {  	s0 =	sand.u32 $0x1, s1  }
0x8c: {  	s16 =	sshll.u32 s0, $0xA;
	s2 =	sadd.s32 s3, s2  }
0x8d: {  	s2 =	sadd.s32 s2, s16  }
0x8e: {  	[smem:$0x3FBF] =	sst s2  }
0x8f: {  	_ = 	snop  }
0x90: {  	(tm) =	ssettm $0x1  }
0x91: {  	s17 =	sld [smem:$0x3FFB];
	_ =	sdelay $0x3  }
0x92: {  	_ =	strace s17  }
0x93: {  	s2 =	sld [smem:$0x3FFC];
	_ =	sdelay $0x3  }
0x94: {  	_ =	strace s2  }
0x95: {  	s2 =	sld [smem:$0x3FFD];
	_ =	sdelay $0x3  }
0x96: {  	_ =	strace s2  }
0x97: {  	_ =	strace $0x8FFFFFFF  }
0x98: {  	s18 =	sld [smem:$0x3FDB];
	_ =	sdelay $0x1  }
0x99: {  	s19 =	simm.s32 $_scs_section_size  }
0x9a: {  	s4 =	simm.s32 $_size__tile_overlayer_lowered;
	s5 =	simm.s32 $_tile_overlayer_lowered  }
0x9b: {  	s22 =	simm.s32 $0x1BFF;
	s21 =	sshll.u32 s5, $0x1;
	s2 =	sadd.s32 s19, s18  }
0x9c: {  	s6 =	simm.s32 $0x0;
	s20 =	sshll.u32 s4, $0x1;
	s4 =	sadd.s32 s21, s2  }
0x9d: {  	[timem:s6], [sflag:s22] =	dma.local [hbm:s4], s20  }
0x9e: {  	_ =	swait.ge [sflag:s22], s20  }
0x9f: {  	s3 =	ssub.s32 $0x0, s20;
	[sflag:s22] =	ssyncset.done $0x0  }
0xa0: {  	[sflag:s22] =	ssyncadd.s32 s3;
	_ =	sdelay $0x1  }
0xa1: {  	s23 =	simm.s32 $0x1B8B  }
0xa2: {  	_ =	swait.ge [sflag:s23], $0x1  }
0xa3: {  	[sflag:s23] =	ssyncset.done $0x0  }
0xa4: {  	s25 =	simm.s32 $0x1B8E;
	s24 =	sld [smem:$0x3FFE];
	[sflag:s23] =	ssyncadd.s32 $0xFFFFFFFF  }
0xa5: {  	s26 =	simm.s32 $execute0_lowered;
	[smem:$0x3FD2] =	sst s25  }
0xa6: {  	s4 =	sshll.u32 s26, $0x1;
	_ =	strace $0x80000046;
	[dreg:$0x1] =	wrdreg $0xFFFFFFFF  }
0xa7: {  	s28 =	simm.s32 $_size_execute0_lowered;
	s2 =	sadd.s32 s2, s4;
	[dreg:$0x0] =	wrdreg $0x0  }
0xa8: {  	s4 =	sshll.u32 s28, $0x1;
	[dreg:$0x2] =	wrdreg s2  }
0xa9: {  	[dreg:$0x3] =	wrdreg s4  }
0xaa: {  	[dreg:$0x4] =	wrdreg $0xC0  }
0xab: {  	_ =	task [dreg:s6], $0x5FFFF  }
0xac: {  	[dreg:$0x1] =	wrdreg $0xFFFFFFFF  }
0xad: {  	[dreg:$0x0] =	wrdreg $0x60  }
0xae: {  	[dreg:$0x2] =	wrdreg s24  }
0xaf: {  	[dreg:$0x3] =	wrdreg $0xB1000  }
0xb0: {  	[dreg:$0x4] =	wrdreg $0x14D400  }
0xb1: {  	[dreg:$0x5] =	wrdreg $0x1EC000  }
0xb2: {  	[dreg:$0x6] =	wrdreg $0x9  }
0xb3: {  	_ =	task.clear_ibuf [dreg:s6], $0x7FFFF;
	_ =	strace $0x90000046  }
0xb4: {  	s29 =	simm.s32 $0x9;
	_ =	strace $0x80000048  }
0xb5: {  	_ =	swait.ge [sflag:s29], $0x1  }
0xb6: {  	[sflag:s29] =	ssyncadd.s32 $0xFFFFFFFF  }
0xb7: {  	_ =	strace $0x90000048  }
0xb8: {  	_ =	sfence  }
0xb9: {  	s30 =	sld [smem:$0x0];
	_ =	sdelay $0x2  }
0xba: {  	s31 =	sshll.u32 s1, $0xD;
	s1 =	sshrl.u32 s1, $0x2  }
0xbb: {  	s3 =	sand.u32 $0x4000, s31;
	s1 =	sadd.s32 s1, s30  }
0xbc: {  	s0 =	sor.u32 s3, s0;
	s1 =	sshll.u32 s1, $0x11  }
0xbd: {  	s0 =	sor.u32 s1, s0  }
0xbe: {  	s0 =	sadd.s32 $0x8F2B, s0  }
0xbf: {  	[sflag:s0] =	ssyncadd.remote.s32 $0x1  }
0xc0: {  	_ =	sfence.sel $0xFFFF  }
0xc1: {  	[dreg:$0x0] =	wrdreg $0xFFFFFFFF;
	(pc) =	sbr.abs _section_cstart, $3  }
0xc2: {  	[dreg:$0x1] =	wrdreg $0xFFFFFFFF  }
0xc3: {  	_ =	task.clear_ibuf [dreg:s6], $0x2FFFF;
	_ =	strace $0x9FFFFFFF  }
0xc4: {  	(tm) =	ssettm $0x7FFFFFFF  }
0xc5: {  	_ =	shalt  }
tec
execute0_lowered:
.L_overlay_start_1:
0x0: {  	(tag) =	ssettag $0x1  }
0x1: {  	s2 =	rddreg [dreg:$0x0]  }
0x2: {  	s0 =	stileid.u32;
	s1 =	rddreg [dreg:$0x1]  }
0x3: {  	s3 =	srdreg.scid;
	s4 =	rddreg [dreg:$0x3];
	s5 =	simm.s32 $0x0  }
0x4: {  	s19 =	simm.s32 $0x2880;
	s20 =	simm.s32 $0xC0;
	s6 =	smul.u32 $0x9C40, s0  }
0x5: {  	s21 =	simm.s32 $0x5100;
	s22 =	simm.s32 $0x8100;
	s8 =	smul.u32 $0x510, s0  }
0x6: {  	s23 =	simm.s32 $0x1;
	s28 =	simm.s32 $0x4F80;
	s10 =	smul.u32 $0x9E00, s0  }
0x7: {  	s29 =	simm.s32 $0x5040;
	s9 =	sand.u32 $0x1, s3;
	s17 =	smul.u32 $0x278, s0  }
0x8: {  	s30 =	simm.s32 $0x0;
	s3 =	rddreg [dreg:$0x2];
	s7 =	smul.u32 $0x5100, s9  }
0x9: {  	[smem:$0x7FF] =	sst s5;
	s31 =	sshll.u32 s0, $0x6;
	s12 =	smul.u32 $0x9E000, s9  }
0xa: {  	_ =	strace $0x80000047;
	s25 =	ssub.s32 $0x2, s9;
	p0 =	seq.s32 s9, $0x1  }
0xb: {  	s11 =	sshrl.u32 s6, $0x3;
	s26 =	sshrl.u32 s10, $0x3;
	s14 =	sshrl.u32 s25, $0x1  }
0xc: {  	s16 =	sadd.s32 s6, s1;
	s18 =	sadd.s32 s10, s3;
	s9 =	sadd.s32 s17, s4  }
0xd: {  	s17 =	sshrl.u32 s17, $0x3;
	s11 =	sadd.s32 s11, s2;
	s7 =	sadd.s32 s8, s7  }
0xe: {  	s24 =	sadd.s32 s10, s12;
	s12 =	sadd.s32 s26, s2;
	s14 =	ssub.s32 s25, s14  }
0xf: {  	s25 =	simm.s32 $0x2;
	s26 =	simm.s32 $0x3;
	s13 =	sadd.s32 s7, s2  }
0x10: {  	s7 =	sshrl.u32 s24, $0x3;
	s6 =	sadd.s32 $0x1200, s11;
	s8 =	sadd.s32 $0x29000, s12  }
0x11: {  	s12 =	simm.s32 $0x3CC00;
	s24 =	simm.s32 $0x1EB40;
	s15 =	sadd.s32 s7, s2  }
0x12: {  	s7 =	sor.u32 $0x1C04, s31;
	s10 =	sadd.s32 $0x14C00, s13;
	s12 =	simm.s32 @!p0 $0x3D200  }
0x13: {  	s11 =	sadd.s32 $0x1EE00, s13;
	s13 =	smax.u32 s14, $0x1;
	s2 =	sadd.s32 s12, s2  }
0x14: {  	s12 =	sadd.s32 $0x3D800, s15;
	s15 =	sshrl.u32 s16, $0x3;
	s16 =	simm.s32 $0x4  }
0x15: {  	v0 =	vimm.f32 $0.0e+00;
	v1 =	vimm.f32 $1.000000000e+00;
	s14 =	sadd.s32 s2, s17;
	s17 =	sshrl.u32 s18, $0x3;
	s18 =	simm.s32 $0x1EE78  }
.LBB2_1:
0x16: {  	[spmem:s15], [sflag:s7] =	dma.local [hbm:s6], $0x1388  }
0x17: {  	_ =	swait.ge [sflag:s16], $0x1388  }
0x18: {  	[sflag:s16] =	ssyncset.done $0x0  }
0x19: {  	[sflag:s16] =	ssyncadd.s32 $0xFFFFEC78  }
0x1a: {  	[spmem:s17], [sflag:s7] =	dma.local [hbm:s8], $0x13C0  }
0x1b: {  	_ =	swait.ge [sflag:s16], $0x13C0  }
0x1c: {  	[sflag:s16] =	ssyncset.done $0x0  }
0x1d: {  	[sflag:s16] =	ssyncadd.s32 $0xFFFFEC40  }
0x1e: {  	[tilespmem:$0x1EE78] =	vst v0  }
0x1f: {  	[tilespmem:$0x1EE88] =	vst v0  }
0x20: {  	[tilespmem:$0x1EE98] =	vst v0  }
0x21: {  	[tilespmem:$0x1EEA8] =	vst v0  }
0x22: {  	[tilespmem:$0x1EEB8] =	vst v0  }
0x23: {  	[tilespmem:$0x1EEC8] =	vst v0  }
0x24: {  	[tilespmem:$0x1EED8] =	vst v0  }
0x25: {  	[tilespmem:$0x1EEE8] =	vst v0  }
0x26: {  	[tilespmem:$0x1EEF8] =	vst v0  }
0x27: {  	[tilespmem:$0x1EF08] =	vst v0  }
0x28: {  	[tilespmem:$0x1EF18] =	vst v0  }
0x29: {  	[tilespmem:$0x1EF28] =	vst v0  }
0x2a: {  	[tilespmem:$0x1EF38] =	vst v0  }
0x2b: {  	[tilespmem:$0x1EF48] =	vst v0  }
0x2c: {  	[tilespmem:$0x1EF58] =	vst v0  }
0x2d: {  	[tilespmem:$0x1EF68] =	vst v0  }
0x2e: {  	[tilespmem:$0x1EF78] =	vst v0  }
0x2f: {  	[tilespmem:$0x1EF88] =	vst v0  }
0x30: {  	[tilespmem:$0x1EF98] =	vst v0  }
0x31: {  	[tilespmem:$0x1EFA8] =	vst v0  }
0x32: {  	[tilespmem:$0x1EFB8] =	vst v0  }
0x33: {  	[tilespmem:$0x1EFC8] =	vst v0  }
0x34: {  	[tilespmem:$0x1EFD8] =	vst v0  }
0x35: {  	[tilespmem:$0x1EFE8] =	vst v0  }
0x36: {  	[tilespmem:$0x1EFF8] =	vst v0  }
0x37: {  	[tilespmem:$0x1F008] =	vst v0  }
0x38: {  	[tilespmem:$0x1F018] =	vst v0  }
0x39: {  	[tilespmem:$0x1F028] =	vst v0  }
0x3a: {  	[tilespmem:$0x1F038] =	vst v0  }
0x3b: {  	[tilespmem:$0x1F048] =	vst v0  }
0x3c: {  	[tilespmem:$0x1F058] =	vst v0  }
0x3d: {  	[tilespmem:$0x1F068] =	vst v0  }
0x3e: {  	[tilespmem:$0x1F078] =	vst v0  }
0x3f: {  	[tilespmem:$0x1F088] =	vst v0  }
0x40: {  	[tilespmem:$0x1F098] =	vst v0  }
0x41: {  	[tilespmem:$0x1F0A8] =	vst v0  }
0x42: {  	[tilespmem:$0x1F0B8] =	vst v0  }
0x43: {  	[tilespmem:$0x1F0C8] =	vst v0  }
0x44: {  	[tilespmem:$0x1F0D8] =	vst v0  }
0x45: {  	[tilespmem:$0x1F0E0] =	vst v0  }
0x46: {  	[spmem:s9] =	stream.linear.scatter [tilespmem:s18], [sflag:$0x4], $0x278, $0x38;
	[tilespmem:$0x1F0F0] =	vst v63  }
0x47: {  	_ =	swait.ge [sflag:s16], $0x278  }
0x48: {  	[sflag:s16] =	ssyncset.done $0x0  }
0x49: {  	[sflag:s16] =	ssyncadd.s32 $0xFFFFFD88  }
0x4a: {  	[tilespmem:$0x1EB40] =	vst v1  }
0x4b: {  	[tilespmem:$0x1EB50] =	vst v1  }
0x4c: {  	[tilespmem:$0x1EB60] =	vst v1  }
0x4d: {  	[tilespmem:$0x1EB70] =	vst v1  }
0x4e: {  	[tilespmem:$0x1EB80] =	vst v1  }
0x4f: {  	[tilespmem:$0x1EB90] =	vst v1  }
0x50: {  	[tilespmem:$0x1EBA0] =	vst v1  }
0x51: {  	[tilespmem:$0x1EBB0] =	vst v1  }
0x52: {  	[tilespmem:$0x1EBC0] =	vst v1  }
0x53: {  	[tilespmem:$0x1EBD0] =	vst v1  }
0x54: {  	[tilespmem:$0x1EBE0] =	vst v1  }
0x55: {  	[tilespmem:$0x1EBF0] =	vst v1  }
0x56: {  	[tilespmem:s5], [sflag:$0x4] =	stream.linear.gather [hbm4b:s10+s5], $0x2880, $0x38;
	[tilespmem:$0x1F0F0] =	vst v63  }
0x57: {  	_ =	swait.ge [sflag:s16], $0x2880  }
0x58: {  	[sflag:s16] =	ssyncset.done $0x0  }
0x59: {  	[sflag:s16] =	ssyncadd.s32 $0xFFFFD780  }
0x5a: {  	[tilespmem:s19], [sflag:$0x4] =	stream.linear.gather [hbm4b:s11+s5], $0x2880, $0x38;
	[tilespmem:$0x1F0F0] =	vst v63  }
0x5b: {  	_ =	swait.ge [sflag:s16], $0x2880  }
0x5c: {  	[sflag:s16] =	ssyncset.done $0x0  }
0x5d: {  	[sflag:s16] =	ssyncadd.s32 $0xFFFFD780  }
0x5e: {  	[bflag:$0x0] =	sbarrier.arrive $0xFFFF  }
0x5f: {  	[tilespmem:s21], [sflag:$0x1] =	stream.indirect.gather [spmem:s1], $0x40, s5, s20, $0xb8;
	[tilespmem:$0x1F0F0] =	vst v63  }
0x60: {  	_ = 	snop  }
0x61: {  	[tilespmem:s22], [sflag:$0x1] =	stream.indirect.gather [spmem:s1], $0x40, s20, s20, $0xb8;
	[tilespmem:$0x1F0F0] =	vst v63  }
0x62: {  	_ =	swait.ge [sflag:s23], $0x3000  }
0x63: {  	[sflag:s23] =	ssyncset.done $0x0  }
0x64: {  	s2 =	simm.s32 $0x2880;
	[sflag:s23] =	ssyncadd.s32 $0xFFFFD000  }
0x65: {  	[spmem:s3] =	stream.indirect.scatter.add.f32 [tilespmem:s21], [sflag:$0x2], $0x40, s2, s20, $0xb8;
	[tilespmem:$0x1F0F0] =	vst v63  }
0x66: {  	_ = 	snop  }
0x67: {  	[spmem:s4] =	stream.indirect.scatter.add.f32 [tilespmem:s24], [sflag:$0x3], $0x1, s2, s20, $0xb8;
	[tilespmem:$0x1F0F0] =	vst v63  }
0x68: {  	_ =	swait.ge [sflag:s23], $0x3000  }
0x69: {  	[sflag:s23] =	ssyncset.done $0x0  }
0x6a: {  	s0 =	simm.s32 $0x2940;
	[sflag:s23] =	ssyncadd.s32 $0xFFFFD000  }
0x6b: {  	[spmem:s3] =	stream.indirect.scatter.add.f32 [tilespmem:s22], [sflag:$0x2], $0x40, s0, s20, $0xb8;
	[tilespmem:$0x1F0F0] =	vst v63  }
0x6c: {  	_ = 	snop  }
0x6d: {  	[spmem:s4] =	stream.indirect.scatter.add.f32 [tilespmem:s24], [sflag:$0x3], $0x1, s0, s20, $0xb8;
	[tilespmem:$0x1F0F0] =	vst v63  }
0x6e: {  	_ =	swait.ge [sflag:s25], $0x3000  }
0x6f: {  	[sflag:s25] =	ssyncset.done $0x0  }
0x70: {  	[sflag:s25] =	ssyncadd.s32 $0xFFFFD000  }
0x71: {  	_ =	swait.ge [sflag:s26], $0xC0  }
0x72: {  	[sflag:s26] =	ssyncset.done $0x0  }
0x73: {  	s0 =	simm.s32 $0x180;
	[sflag:s26] =	ssyncadd.s32 $0xFFFFFF40  }
0x74: {  	[tilespmem:s21], [sflag:$0x1] =	stream.indirect.gather [spmem:s1], $0x40, s0, s20, $0xb8;
	[tilespmem:$0x1F0F0] =	vst v63  }
0x75: {  	_ =	swait.ge [sflag:s25], $0x3000  }
0x76: {  	[sflag:s25] =	ssyncset.done $0x0  }
0x77: {  	[sflag:s25] =	ssyncadd.s32 $0xFFFFD000  }
0x78: {  	_ =	swait.ge [sflag:s26], $0xC0  }
0x79: {  	[sflag:s26] =	ssyncset.done $0x0  }
0x7a: {  	s31 =	simm.s32 $0x600;
	s2 =	simm.s32 $0x240;
	[sflag:s26] =	ssyncadd.s32 $0xFFFFFF40  }
.LBB2_2:
0x7b: {  	[tilespmem:s22], [sflag:$0x1] =	stream.indirect.gather [spmem:s1], $0x40, s2, s20, $0xb8;
	[tilespmem:$0x1F0F0] =	vst v63  }
0x7c: {  	s2 =	smov.u32 s31  }
0x7d: {  	p0 =	sne.s32 s31, $0x9600;
	s31 =	sadd.s32 $0x600, s31;
	_ =	swait.ge [sflag:s23], $0x3000  }
0x7e: {  	s2 =	sshra.s32 s2, $0x2;
	[sflag:s23] =	ssyncset.done $0x0  }
0x7f: {  	s0 =	sadd.s32 $0x2880, s2;
	[sflag:s23] =	ssyncadd.s32 $0xFFFFD000  }
0x80: {  	[spmem:s3] =	stream.indirect.scatter.add.f32 [tilespmem:s21], [sflag:$0x2], $0x40, s0, s20, $0xb8;
	[tilespmem:$0x1F0F0] =	vst v63  }
0x81: {  	_ = 	snop  }
0x82: {  	[spmem:s4] =	stream.indirect.scatter.add.f32 [tilespmem:s24], [sflag:$0x3], $0x1, s0, s20, $0xb8;
	[tilespmem:$0x1F0F0] =	vst v63  }
0x83: {  	_ =	swait.ge [sflag:s23], $0x3000  }
0x84: {  	[sflag:s23] =	ssyncset.done $0x0  }
0x85: {  	s0 =	sadd.s32 $0x2940, s2;
	[sflag:s23] =	ssyncadd.s32 $0xFFFFD000  }
0x86: {  	[spmem:s3] =	stream.indirect.scatter.add.f32 [tilespmem:s22], [sflag:$0x2], $0x40, s0, s20, $0xb8;
	[tilespmem:$0x1F0F0] =	vst v63  }
0x87: {  	_ = 	snop  }
0x88: {  	[spmem:s4] =	stream.indirect.scatter.add.f32 [tilespmem:s24], [sflag:$0x3], $0x1, s0, s20, $0xb8;
	[tilespmem:$0x1F0F0] =	vst v63  }
0x89: {  	_ =	swait.ge [sflag:s25], $0x3000  }
0x8a: {  	[sflag:s25] =	ssyncset.done $0x0  }
0x8b: {  	[sflag:s25] =	ssyncadd.s32 $0xFFFFD000  }
0x8c: {  	_ =	swait.ge [sflag:s26], $0xC0  }
0x8d: {  	[sflag:s26] =	ssyncset.done $0x0  }
0x8e: {  	s0 =	sadd.s32 $0x180, s2;
	[sflag:s26] =	ssyncadd.s32 $0xFFFFFF40  }
0x8f: {  	[tilespmem:s21], [sflag:$0x1] =	stream.indirect.gather [spmem:s1], $0x40, s0, s20, $0xb8;
	[tilespmem:$0x1F0F0] =	vst v63  }
0x90: {  	_ =	swait.ge [sflag:s25], $0x3000  }
.Ltmp0:
0x91: {  	[sflag:s25] =	ssyncset.done $0x0;
	(pc) =	sbr.rel @p0 .LBB2_2-.Ltmp0, $4  }
0x92: {  	[sflag:s25] =	ssyncadd.s32 $0xFFFFD000  }
0x93: {  	_ =	swait.ge [sflag:s26], $0xC0  }
0x94: {  	[sflag:s26] =	ssyncset.done $0x0  }
0x95: {  	s2 =	sadd.s32 $0x240, s2;
	[sflag:s26] =	ssyncadd.s32 $0xFFFFFF40  }
0x96: {  	[tilespmem:s22], [sflag:$0x1] =	stream.indirect.gather [spmem:s1], $0x40, s2, s20, $0xb8;
	[tilespmem:$0x1F0F0] =	vst v63  }
0x97: {  	_ =	swait.ge [sflag:s23], $0x3000  }
0x98: {  	[sflag:s23] =	ssyncset.done $0x0  }
0x99: {  	[sflag:s23] =	ssyncadd.s32 $0xFFFFD000  }
0x9a: {  	[spmem:s3] =	stream.indirect.scatter.add.f32 [tilespmem:s21], [sflag:$0x2], $0x40, s28, s20, $0xb8;
	[tilespmem:$0x1F0F0] =	vst v63  }
0x9b: {  	_ = 	snop  }
0x9c: {  	[spmem:s4] =	stream.indirect.scatter.add.f32 [tilespmem:s24], [sflag:$0x3], $0x1, s28, s20, $0xb8;
	[tilespmem:$0x1F0F0] =	vst v63  }
0x9d: {  	_ =	swait.ge [sflag:s23], $0x3000  }
0x9e: {  	[sflag:s23] =	ssyncset.done $0x0  }
0x9f: {  	[sflag:s23] =	ssyncadd.s32 $0xFFFFD000  }
0xa0: {  	[spmem:s3] =	stream.indirect.scatter.add.f32 [tilespmem:s22], [sflag:$0x2], $0x40, s29, s20, $0xb8;
	[tilespmem:$0x1F0F0] =	vst v63  }
0xa1: {  	_ = 	snop  }
0xa2: {  	[spmem:s4] =	stream.indirect.scatter.add.f32 [tilespmem:s24], [sflag:$0x3], $0x1, s29, s20, $0xb8;
	[tilespmem:$0x1F0F0] =	vst v63  }
0xa3: {  	_ =	swait.ge [sflag:s25], $0x3000  }
0xa4: {  	[sflag:s25] =	ssyncset.done $0x0  }
0xa5: {  	[sflag:s25] =	ssyncadd.s32 $0xFFFFD000  }
0xa6: {  	_ =	swait.ge [sflag:s26], $0xC0  }
0xa7: {  	[sflag:s26] =	ssyncset.done $0x0  }
0xa8: {  	[sflag:s26] =	ssyncadd.s32 $0xFFFFFF40  }
0xa9: {  	_ =	swait.ge [sflag:s25], $0x3000  }
0xaa: {  	[sflag:s25] =	ssyncset.done $0x0  }
0xab: {  	[sflag:s25] =	ssyncadd.s32 $0xFFFFD000  }
0xac: {  	_ =	swait.ge [sflag:s26], $0xC0  }
0xad: {  	[sflag:s26] =	ssyncset.done $0x0  }
0xae: {  	[sflag:s26] =	ssyncadd.s32 $0xFFFFFF40  }
0xaf: {  	[bflag:$0x0] =	sbarrier.arrive $0xFFFF  }
0xb0: {  	[hbm:s12], [sflag:s7] =	dma.local [spmem:s17], $0x13C0  }
0xb1: {  	_ =	swait.ge [sflag:s16], $0x13C0  }
0xb2: {  	[sflag:s16] =	ssyncset.done $0x0  }
0xb3: {  	[sflag:s16] =	ssyncadd.s32 $0xFFFFEC40  }
0xb4: {  	[tilespmem:s18], [sflag:$0x4] =	stream.linear.gather [spmem:s9], $0x278, $0x38;
	[tilespmem:$0x1F0F0] =	vst v63  }
0xb5: {  	s30 =	sadd.s32 $0x1, s30;
	_ =	swait.ge [sflag:s16], $0x278  }
0xb6: {  	p0 =	sne.s32 s30, s13;
	[sflag:s16] =	ssyncset.done $0x0  }
.Ltmp1:
0xb7: {  	[sflag:s16] =	ssyncadd.s32 $0xFFFFFD88;
	(pc) =	sbr.rel @p0 .LBB2_1-.Ltmp1, $4  }
0xb8: {  	[hbm4b:s14+s5] =	stream.linear.scatter [tilespmem:s18], [sflag:$0x4], $0x278, $0x38;
	[tilespmem:$0x1F0F0] =	vst v63  }
0xb9: {  	_ =	swait.ge [sflag:s16], $0x278  }
0xba: {  	[sflag:s16] =	ssyncset.done $0x0  }
0xbb: {  	[sflag:s16] =	ssyncadd.s32 $0xFFFFFD88  }
0xbc: {  	_ =	sfence.sel $0x180000  }
0xbd: {  	[bflag:$0x0] =	sbarrier.arrive $0xFFFF  }
0xbe: {  	_ =	strace $0x90000047  }
0xbf: {  	s0 =	stileid.u32;
	[bflag:$0x2] =	sbarrier.arrive $0xFFFF  }
0xc0: {  	p0 =	sne.s32 s0, $0x0;
	s0 =	rddreg [dreg:$0x4]  }
0xc1: {  	s0 =	sadd.s32 @!p0 $0x100000, s0  }
0xc2: {  	[sflag:s0] =	ssyncadd.tile.s32 @!p0 $0x1;
	_ =	shalt  }
.Lfunc_end2:
_tile_overlayer_lowered:
.L_overlay_start_2:
0xc3: {  	(tag) =	ssettag $0x2  }
0xc4: {  	s0 =	rddreg [dreg:$0x0];
	s2 =	stileid.u32  }
0xc5: {  	s1 =	rddreg [dreg:$0x1];
	p0 =	sne.s32 s2, $0x0  }
0xc6: {  	s3 =	rddreg [dreg:$0x2];
	[bflag:$0x3] =	sbarrier.arrive $0xFFFF;
	s2 =	simm.s32 @!p0 $0x1C04  }
0xc7: {  	[timem:s3], [sflag:s2] =	dma.local @!p0 [hbm:s0], s1  }
0xc8: {  	s0 =	simm.s32 @!p0 $0x4  }
0xc9: {  	_ =	swait.ge @!p0 [sflag:s0], s1  }
0xca: {  	s1 =	ssub.s32 @!p0 $0x0, s1;
	[sflag:s0] =	ssyncset.done @!p0 $0x0  }
0xcb: {  	[sflag:s0] =	ssyncadd.s32 @!p0 s1  }
0xcc: {  	[bflag:$0x3] =	sbarrier.arrive $0xFFFF  }
0xcd: {  	_ =	shalt  }

</sc_bundles>
